<compile_context>
chip_gen: v7x
topology: tpu7x:2x2x1
jax: 0.10.2.dev20260603
libtpu: 0.0.44.dev20260713+nightly
codegen_flags: <defaults>
</compile_context>

<pallas_src>
import functools

import jax
import jax.numpy as jnp
from jax import lax
from jax.experimental import pallas as pl
from jax.experimental.pallas import tpu as pltpu
from jax.experimental.pallas import tpu_sc as plsc

VOCAB = 1000
BODY = 896
TAIL = VOCAB - BODY
NUM_WORKERS = 32
CHUNK = 40


def _gather_rows(body_hbm, tail_hbm, idx_hbm, out_hbm,
                 idx_v, buf0, buf1, tbuf0, tbuf1,
                 gb0, gb1, gt0, gt1, w0, w1):
    per_w = idx_v.shape[0]
    n_chunks = per_w // CHUNK
    wid = lax.axis_index("s") * 2 + lax.axis_index("c")
    base = wid * per_w
    pltpu.sync_copy(idx_hbm.at[pl.ds(base, per_w)], idx_v)

    bufs = (buf0, buf1)
    tbufs = (tbuf0, tbuf1)
    gbs = (gb0, gb1)
    gts = (gt0, gt1)
    ws = (w0, w1)

    lane = lax.iota(jnp.int32, 16)
    last_lanes = BODY + 6 * 16 + lane
    last_mask = lane < (TAIL - 6 * 16)
    last_idx = jnp.where(last_mask, last_lanes, VOCAB - 1)

    def start_gathers(g, slot):
        @pl.when(g >= 2)
        def _():
            wait_write(slot)
        off = pl.multiple_of(g * CHUNK, CHUNK)
        idx_c = idx_v.at[pl.ds(off, CHUNK)]
        pltpu.async_copy(body_hbm.at[idx_c],
                         bufs[slot].at[:, pl.ds(0, BODY)], gbs[slot])
        pltpu.async_copy(tail_hbm.at[idx_c], tbufs[slot], gts[slot])

    def wait_gathers(slot):
        pltpu.make_async_copy(body_hbm.at[pl.ds(0, CHUNK)],
                              bufs[slot].at[:, pl.ds(0, BODY)],
                              gbs[slot]).wait()
        pltpu.make_async_copy(tail_hbm.at[pl.ds(0, CHUNK)],
                              tbufs[slot], gts[slot]).wait()

    def wait_write(slot):
        pltpu.make_async_copy(bufs[slot], out_hbm.at[pl.ds(0, CHUNK)],
                              ws[slot]).wait()

    def splice(slot):
        buf, tbuf = bufs[slot], tbufs[slot]

        def splice_row(r, carry):
            for k in range(6):
                buf[r, pl.ds(BODY + 16 * k, 16)] = tbuf[r, pl.ds(16 * k, 16)]
            x = tbuf[r, pl.ds(96, 16)]
            plsc.store_scatter(buf, [jnp.full((16,), r, jnp.int32), last_idx],
                               x, mask=last_mask)
            return carry

        lax.fori_loop(0, CHUNK, splice_row, 0)

    def process(g, slot):
        wait_gathers(slot)
        splice(slot)
        off = pl.multiple_of(g * CHUNK, CHUNK)
        pltpu.async_copy(bufs[slot], out_hbm.at[pl.ds(base + off, CHUNK)],
                         ws[slot])

    start_gathers(0, 0)

    def ring(h, carry):
        g = 2 * h
        start_gathers(g + 1, 1)
        process(g, 0)

        @pl.when(g + 2 < n_chunks)
        def _():
            start_gathers(g + 2, 0)
        process(g + 1, 1)
        return carry

    lax.fori_loop(0, n_chunks // 2, ring, 0)
    wait_write(0)
    wait_write(1)


def kernel(idx, embed_weight):
    B, T = idx.shape
    N = B * T
    idx_flat = idx.reshape(N).astype(jnp.int32)
    body = embed_weight[:, :BODY]
    tail = jnp.pad(embed_weight[:, BODY:VOCAB], ((0, 0), (0, 128 - TAIL)))
    per_w = N // NUM_WORKERS

    mesh = plsc.VectorSubcoreMesh(core_axis_name="c", subcore_axis_name="s")
    k = functools.partial(
        pl.kernel,
        out_type=jax.ShapeDtypeStruct((N, VOCAB), jnp.float32),
        mesh=mesh,
        compiler_params=pltpu.CompilerParams(needs_layout_passes=False),
        scratch_types=[
            pltpu.VMEM((per_w,), jnp.int32),
            pltpu.VMEM((CHUNK, VOCAB), jnp.float32),
            pltpu.VMEM((CHUNK, VOCAB), jnp.float32),
            pltpu.VMEM((CHUNK, 128), jnp.float32),
            pltpu.VMEM((CHUNK, 128), jnp.float32),
            pltpu.SemaphoreType.DMA,
            pltpu.SemaphoreType.DMA,
            pltpu.SemaphoreType.DMA,
            pltpu.SemaphoreType.DMA,
            pltpu.SemaphoreType.DMA,
            pltpu.SemaphoreType.DMA,
        ],
    )(_gather_rows)
    out = k(body, tail, idx_flat)
    return out.reshape(B, T, VOCAB)

# --- scband reference (transcript-rebuilt; emitter-appended) ---
"""Pipeline reference for scband-bigram-model-37606733643790 (READ-ONLY COPY).

The authoritative reference and input builder live on the scoring server;
editing this copy changes nothing except your own understanding.
"""

import jax, jax.numpy as jnp
import numpy as np

VOCAB = 1000
B, T = 1024, 200

def setup_inputs(seed: int = 0) -> dict:
    key = jax.random.key(seed)
    k_idx, k_tab = jax.random.split(key)
    idx = jax.random.randint(k_idx, (B, T), 0, VOCAB, dtype=jnp.int64)
    embed_weight = jax.random.normal(k_tab, (VOCAB, VOCAB), dtype=jnp.float32) * 0.02
    return {"idx": idx, "embed_weight": embed_weight}

def reference(idx, embed_weight):
    # BigramModel.forward with targets=None: logits = self.embed(idx); loss = None
    logits = jnp.take(embed_weight, idx, axis=0)  # [B, T, vocab]
    return logits

if __name__ == "__main__":
    import jax
    _d = setup_inputs()
    print(jax.jit(kernel)(*tuple(_d.values())))

</pallas_src>

<mosaic_0001>
#map = affine_map<(d0, d1) -> (0, 0)>
#map1 = affine_map<(d0, d1) -> (0)>
module attributes {stable_mosaic.version = 14 : i64} {
  func.func @_gather_rows(%arg0: i32, %arg1: i32, %arg2: memref<1000x896xf32, #tpu.memory_space<hbm>>, %arg3: memref<1000x128xf32, #tpu.memory_space<hbm>>, %arg4: memref<204800xi32, #tpu.memory_space<hbm>>, %arg5: memref<204800x1000xf32, #tpu.memory_space<hbm>>, %arg6: memref<6400xi32, #tpu.memory_space<vmem>>, %arg7: memref<40x1000xf32, #tpu.memory_space<vmem>>, %arg8: memref<40x1000xf32, #tpu.memory_space<vmem>>, %arg9: memref<40x128xf32, #tpu.memory_space<vmem>>, %arg10: memref<40x128xf32, #tpu.memory_space<vmem>>, %arg11: memref<!tpu.dma_semaphore, #tpu.memory_space<semaphore_mem>>, %arg12: memref<!tpu.dma_semaphore, #tpu.memory_space<semaphore_mem>>, %arg13: memref<!tpu.dma_semaphore, #tpu.memory_space<semaphore_mem>>, %arg14: memref<!tpu.dma_semaphore, #tpu.memory_space<semaphore_mem>>, %arg15: memref<!tpu.dma_semaphore, #tpu.memory_space<semaphore_mem>>, %arg16: memref<!tpu.dma_semaphore, #tpu.memory_space<semaphore_mem>>) attributes {dimension_semantics = [#tpu.dimension_semantics<core_parallel>, #tpu.dimension_semantics<subcore_parallel>], iteration_bounds = array<i64: 2, 16>, scalar_prefetch = 0 : i64, scratch_operands = 11 : i64, tpu.core_type = #tpu.core_type<sc_vector_subcore>, window_params = [{transform_indices = #map}, {transform_indices = #map}, {transform_indices = #map1}, {transform_indices = #map}]} {
    %mul3A = arith.constant 2 : i32
    %mul3A_0 = arith.muli %arg1, %mul3A : i32
    %add3A = arith.addi %mul3A_0, %arg0 : i32
    %mul3A_1 = arith.constant 6400 : i32
    %mul3A_2 = arith.muli %add3A, %mul3A_1 : i32
    "tpu.region"() ({
      %run_scoped3A = tpu.sem_alloc : memref<!tpu.dma_semaphore, #tpu.memory_space<semaphore_mem>>
      %dma_start3A_35 = tpu.memref_slice %arg4[%mul3A_2] : memref<204800xi32, #tpu.memory_space<hbm>> -> memref<6400xi32, #tpu.memory_space<hbm>>
      %dma_start3A_36 = tpu.memref_slice %arg4[%mul3A_2] : memref<204800xi32, #tpu.memory_space<hbm>> -> memref<6400xi32, #tpu.memory_space<hbm>>
      tpu.enqueue_dma source(%dma_start3A_36 : memref<6400xi32, #tpu.memory_space<hbm>>) target(%arg6 : memref<6400xi32, #tpu.memory_space<vmem>>) target_semaphore(%run_scoped3A : memref<!tpu.dma_semaphore, #tpu.memory_space<semaphore_mem>>)
      %dma_wait3A_37 = tpu.memref_slice %arg4[%mul3A_2] : memref<204800xi32, #tpu.memory_space<hbm>> -> memref<6400xi32, #tpu.memory_space<hbm>>
      %dma_wait3A_38 = tpu.memref_slice %arg4[%mul3A_2] : memref<204800xi32, #tpu.memory_space<hbm>> -> memref<6400xi32, #tpu.memory_space<hbm>>
      tpu.wait_dma2 semaphore(%run_scoped3A : memref<!tpu.dma_semaphore, #tpu.memory_space<semaphore_mem>>) src(%dma_wait3A_38 : memref<6400xi32, #tpu.memory_space<hbm>>) dst(%arg6 : memref<6400xi32, #tpu.memory_space<vmem>>)
      tpu.yield
    }) : () -> ()
    %iota3A = tpu.iota {dimensions = array<i32: 0>} : vector<16xi32>
    %add3A_3 = arith.constant 992 : i32
    %add3A_4 = vector.broadcast %add3A_3 : i32 to vector<16xi32>
    %add3A_5 = arith.addi %add3A_4, %iota3A : vector<16xi32>
    %lt3A = arith.constant 8 : i32
    %lt3A_6 = vector.broadcast %lt3A : i32 to vector<16xi32>
    %lt3A_7 = arith.cmpi slt, %iota3A, %lt3A_6 : vector<16xi32>
    %jit3A = arith.constant 999 : i32
    %broadcast_in_dim3A = vector.broadcast %jit3A : i32 to vector<16xi32>
    %select_n3A = arith.select %lt3A_7, %add3A_5, %broadcast_in_dim3A : vector<16xi1>, vector<16xi32>
    %multiple_of3A = arith.constant 0 : i32
    %multiple_of3A_8 = tpu.assume_multiple %multiple_of3A, 40 : i32
    %dma_start3A = arith.constant 0 : i32
    %dma_start3A_9 = arith.constant 0 : i32
    %dma_start3A_10 = tpu.memref_slice %arg7[%dma_start3A, %dma_start3A_9] : memref<40x1000xf32, #tpu.memory_space<vmem>> -> memref<40x896xf32, #tpu.memory_space<vmem>>
    %dma_start3A_11 = tpu.memref_slice %arg6[%multiple_of3A_8] : memref<6400xi32, #tpu.memory_space<vmem>> -> memref<40xi32, #tpu.memory_space<vmem>>
    %dma_start3A_12 = arith.constant 0 : i32
    %dma_start3A_13 = arith.constant 0 : i32
    %dma_start3A_14 = tpu.memref_slice %arg2[%dma_start3A_12, %dma_start3A_13] : memref<1000x896xf32, #tpu.memory_space<hbm>> -> memref<1000x896xf32, #tpu.memory_space<hbm>>
    tpu.enqueue_indirect_dma source(%dma_start3A_14 : memref<1000x896xf32, #tpu.memory_space<hbm>>) target(%dma_start3A_10 : memref<40x896xf32, #tpu.memory_space<vmem>>) offsets(%dma_start3A_11 : memref<40xi32, #tpu.memory_space<vmem>>) semaphore(%arg11 : memref<!tpu.dma_semaphore, #tpu.memory_space<semaphore_mem>>)
    %dma_start3A_15 = tpu.memref_slice %arg6[%multiple_of3A_8] : memref<6400xi32, #tpu.memory_space<vmem>> -> memref<40xi32, #tpu.memory_space<vmem>>
    %dma_start3A_16 = arith.constant 0 : i32
    %dma_start3A_17 = arith.constant 0 : i32
    %dma_start3A_18 = tpu.memref_slice %arg3[%dma_start3A_16, %dma_start3A_17] : memref<1000x128xf32, #tpu.memory_space<hbm>> -> memref<1000x128xf32, #tpu.memory_space<hbm>>
    tpu.enqueue_indirect_dma source(%dma_start3A_18 : memref<1000x128xf32, #tpu.memory_space<hbm>>) target(%arg9 : memref<40x128xf32, #tpu.memory_space<vmem>>) offsets(%dma_start3A_15 : memref<40xi32, #tpu.memory_space<vmem>>) semaphore(%arg13 : memref<!tpu.dma_semaphore, #tpu.memory_space<semaphore_mem>>)
    %scan3A = arith.constant 0 : i32
    %scan3A_19 = arith.constant 0 : i32
    %scan3A_20 = arith.constant 80 : i32
    %scan3A_21 = arith.addi %scan3A_19, %scan3A_20 : i32
    %scan3A_22 = arith.constant 1 : i32
    scf.for %scan3A_35 = %scan3A_19 to %scan3A_21 step %scan3A_22  : i32 {
      %mul3A_36 = arith.constant 2 : i32
      %mul3A_37 = arith.muli %mul3A_36, %scan3A_35 : i32
      %add3A_38 = arith.constant 1 : i32
      %add3A_39 = arith.addi %mul3A_37, %add3A_38 : i32
      %ge3A = arith.constant 2 : i32
      %ge3A_40 = arith.cmpi sge, %add3A_39, %ge3A : i32
      %convert_element_type3A = arith.extui %ge3A_40 : i1 to i32
      %cond3A = arith.constant 0 : i32
      %cond3A_41 = arith.cmpi ne, %convert_element_type3A, %cond3A : i32
      scf.if %cond3A_41 {
        %dma_wait3A_129 = arith.constant 0 : i32
        %dma_wait3A_130 = arith.constant 0 : i32
        %dma_wait3A_131 = tpu.memref_slice %arg5[%dma_wait3A_129, %dma_wait3A_130] : memref<204800x1000xf32, #tpu.memory_space<hbm>> -> memref<40x1000xf32, #tpu.memory_space<hbm>>
        %dma_wait3A_132 = arith.constant 0 : i32
        %dma_wait3A_133 = arith.constant 0 : i32
        %dma_wait3A_134 = tpu.memref_slice %arg5[%dma_wait3A_132, %dma_wait3A_133] : memref<204800x1000xf32, #tpu.memory_space<hbm>> -> memref<40x1000xf32, #tpu.memory_space<hbm>>
        tpu.wait_dma2 semaphore(%arg16 : memref<!tpu.dma_semaphore, #tpu.memory_space<semaphore_mem>>) src(%arg8 : memref<40x1000xf32, #tpu.memory_space<vmem>>) dst(%dma_wait3A_134 : memref<40x1000xf32, #tpu.memory_space<hbm>>)
      } else {
      }
      %mul3A_42 = arith.constant 40 : i32
      %mul3A_43 = arith.muli %add3A_39, %mul3A_42 : i32
      %multiple_of3A_44 = tpu.assume_multiple %mul3A_43, 40 : i32
      %dma_start3A_45 = arith.constant 0 : i32
      %dma_start3A_46 = arith.constant 0 : i32
      %dma_start3A_47 = tpu.memref_slice %arg8[%dma_start3A_45, %dma_start3A_46] : memref<40x1000xf32, #tpu.memory_space<vmem>> -> memref<40x896xf32, #tpu.memory_space<vmem>>
      %dma_start3A_48 = tpu.memref_slice %arg6[%multiple_of3A_44] : memref<6400xi32, #tpu.memory_space<vmem>> -> memref<40xi32, #tpu.memory_space<vmem>>
      %dma_start3A_49 = arith.constant 0 : i32
      %dma_start3A_50 = arith.constant 0 : i32
      %dma_start3A_51 = tpu.memref_slice %arg2[%dma_start3A_49, %dma_start3A_50] : memref<1000x896xf32, #tpu.memory_space<hbm>> -> memref<1000x896xf32, #tpu.memory_space<hbm>>
      tpu.enqueue_indirect_dma source(%dma_start3A_51 : memref<1000x896xf32, #tpu.memory_space<hbm>>) target(%dma_start3A_47 : memref<40x896xf32, #tpu.memory_space<vmem>>) offsets(%dma_start3A_48 : memref<40xi32, #tpu.memory_space<vmem>>) semaphore(%arg12 : memref<!tpu.dma_semaphore, #tpu.memory_space<semaphore_mem>>)
      %dma_start3A_52 = tpu.memref_slice %arg6[%multiple_of3A_44] : memref<6400xi32, #tpu.memory_space<vmem>> -> memref<40xi32, #tpu.memory_space<vmem>>
      %dma_start3A_53 = arith.constant 0 : i32
      %dma_start3A_54 = arith.constant 0 : i32
      %dma_start3A_55 = tpu.memref_slice %arg3[%dma_start3A_53, %dma_start3A_54] : memref<1000x128xf32, #tpu.memory_space<hbm>> -> memref<1000x128xf32, #tpu.memory_space<hbm>>
      tpu.enqueue_indirect_dma source(%dma_start3A_55 : memref<1000x128xf32, #tpu.memory_space<hbm>>) target(%arg10 : memref<40x128xf32, #tpu.memory_space<vmem>>) offsets(%dma_start3A_52 : memref<40xi32, #tpu.memory_space<vmem>>) semaphore(%arg14 : memref<!tpu.dma_semaphore, #tpu.memory_space<semaphore_mem>>)
      %dma_wait3A_56 = arith.constant 0 : i32
      %dma_wait3A_57 = arith.constant 0 : i32
      %dma_wait3A_58 = tpu.memref_slice %arg7[%dma_wait3A_56, %dma_wait3A_57] : memref<40x1000xf32, #tpu.memory_space<vmem>> -> memref<40x896xf32, #tpu.memory_space<vmem>>
      %dma_wait3A_59 = arith.constant 0 : i32
      %dma_wait3A_60 = arith.constant 0 : i32
      %dma_wait3A_61 = tpu.memref_slice %arg2[%dma_wait3A_59, %dma_wait3A_60] : memref<1000x896xf32, #tpu.memory_space<hbm>> -> memref<40x896xf32, #tpu.memory_space<hbm>>
      %dma_wait3A_62 = arith.constant 0 : i32
      %dma_wait3A_63 = arith.constant 0 : i32
      %dma_wait3A_64 = tpu.memref_slice %arg7[%dma_wait3A_62, %dma_wait3A_63] : memref<40x1000xf32, #tpu.memory_space<vmem>> -> memref<40x896xf32, #tpu.memory_space<vmem>>
      %dma_wait3A_65 = arith.constant 0 : i32
      %dma_wait3A_66 = arith.constant 0 : i32
      %dma_wait3A_67 = tpu.memref_slice %arg2[%dma_wait3A_65, %dma_wait3A_66] : memref<1000x896xf32, #tpu.memory_space<hbm>> -> memref<40x896xf32, #tpu.memory_space<hbm>>
      tpu.wait_dma2 semaphore(%arg11 : memref<!tpu.dma_semaphore, #tpu.memory_space<semaphore_mem>>) src(%dma_wait3A_67 : memref<40x896xf32, #tpu.memory_space<hbm>>) dst(%dma_wait3A_64 : memref<40x896xf32, #tpu.memory_space<vmem>>)
      %dma_wait3A_68 = arith.constant 0 : i32
      %dma_wait3A_69 = arith.constant 0 : i32
      %dma_wait3A_70 = tpu.memref_slice %arg3[%dma_wait3A_68, %dma_wait3A_69] : memref<1000x128xf32, #tpu.memory_space<hbm>> -> memref<40x128xf32, #tpu.memory_space<hbm>>
      %dma_wait3A_71 = arith.constant 0 : i32
      %dma_wait3A_72 = arith.constant 0 : i32
      %dma_wait3A_73 = tpu.memref_slice %arg3[%dma_wait3A_71, %dma_wait3A_72] : memref<1000x128xf32, #tpu.memory_space<hbm>> -> memref<40x128xf32, #tpu.memory_space<hbm>>
      tpu.wait_dma2 semaphore(%arg13 : memref<!tpu.dma_semaphore, #tpu.memory_space<semaphore_mem>>) src(%dma_wait3A_73 : memref<40x128xf32, #tpu.memory_space<hbm>>) dst(%arg9 : memref<40x128xf32, #tpu.memory_space<vmem>>)
      %scan3A_74 = arith.constant 0 : i32
      %scan3A_75 = arith.constant 0 : i32
      %scan3A_76 = arith.constant 40 : i32
      %scan3A_77 = arith.addi %scan3A_75, %scan3A_76 : i32
      %scan3A_78 = arith.constant 1 : i32
      scf.for %scan3A_129 = %scan3A_75 to %scan3A_77 step %scan3A_78  : i32 {
        %get3A = arith.index_cast %scan3A_129 : i32 to index
        %get3A_130 = arith.constant 0 : index
        %get3A_131 = tpu.vector_load %arg9[%get3A, %get3A_130] {strides = array<i32>} : memref<40x128xf32, #tpu.memory_space<vmem>>, vector<16xf32>,
        %swap3A = arith.index_cast %scan3A_129 : i32 to index
        %swap3A_132 = arith.constant 896 : index
        %swap3A_133 = tpu.vector_load %arg7[%swap3A, %swap3A_132] {strides = array<i32>} : memref<40x1000xf32, #tpu.memory_space<vmem>>, vector<16xf32>,
        tpu.vector_store %arg7[%swap3A, %swap3A_132], %get3A_131 {strides = array<i32>} : memref<40x1000xf32, #tpu.memory_space<vmem>>, vector<16xf32>,
        %get3A_134 = arith.index_cast %scan3A_129 : i32 to index
        %get3A_135 = arith.constant 16 : index
        %get3A_136 = tpu.vector_load %arg9[%get3A_134, %get3A_135] {strides = array<i32>} : memref<40x128xf32, #tpu.memory_space<vmem>>, vector<16xf32>,
        %swap3A_137 = arith.index_cast %scan3A_129 : i32 to index
        %swap3A_138 = arith.constant 912 : index
        %swap3A_139 = tpu.vector_load %arg7[%swap3A_137, %swap3A_138] {strides = array<i32>} : memref<40x1000xf32, #tpu.memory_space<vmem>>, vector<16xf32>,
        tpu.vector_store %arg7[%swap3A_137, %swap3A_138], %get3A_136 {strides = array<i32>} : memref<40x1000xf32, #tpu.memory_space<vmem>>, vector<16xf32>,
        %get3A_140 = arith.index_cast %scan3A_129 : i32 to index
        %get3A_141 = arith.constant 32 : index
        %get3A_142 = tpu.vector_load %arg9[%get3A_140, %get3A_141] {strides = array<i32>} : memref<40x128xf32, #tpu.memory_space<vmem>>, vector<16xf32>,
        %swap3A_143 = arith.index_cast %scan3A_129 : i32 to index
        %swap3A_144 = arith.constant 928 : index
        %swap3A_145 = tpu.vector_load %arg7[%swap3A_143, %swap3A_144] {strides = array<i32>} : memref<40x1000xf32, #tpu.memory_space<vmem>>, vector<16xf32>,
        tpu.vector_store %arg7[%swap3A_143, %swap3A_144], %get3A_142 {strides = array<i32>} : memref<40x1000xf32, #tpu.memory_space<vmem>>, vector<16xf32>,
        %get3A_146 = arith.index_cast %scan3A_129 : i32 to index
        %get3A_147 = arith.constant 48 : index
        %get3A_148 = tpu.vector_load %arg9[%get3A_146, %get3A_147] {strides = array<i32>} : memref<40x128xf32, #tpu.memory_space<vmem>>, vector<16xf32>,
        %swap3A_149 = arith.index_cast %scan3A_129 : i32 to index
        %swap3A_150 = arith.constant 944 : index
        %swap3A_151 = tpu.vector_load %arg7[%swap3A_149, %swap3A_150] {strides = array<i32>} : memref<40x1000xf32, #tpu.memory_space<vmem>>, vector<16xf32>,
        tpu.vector_store %arg7[%swap3A_149, %swap3A_150], %get3A_148 {strides = array<i32>} : memref<40x1000xf32, #tpu.memory_space<vmem>>, vector<16xf32>,
        %get3A_152 = arith.index_cast %scan3A_129 : i32 to index
        %get3A_153 = arith.constant 64 : index
        %get3A_154 = tpu.vector_load %arg9[%get3A_152, %get3A_153] {strides = array<i32>} : memref<40x128xf32, #tpu.memory_space<vmem>>, vector<16xf32>,
        %swap3A_155 = arith.index_cast %scan3A_129 : i32 to index
        %swap3A_156 = arith.constant 960 : index
        %swap3A_157 = tpu.vector_load %arg7[%swap3A_155, %swap3A_156] {strides = array<i32>} : memref<40x1000xf32, #tpu.memory_space<vmem>>, vector<16xf32>,
        tpu.vector_store %arg7[%swap3A_155, %swap3A_156], %get3A_154 {strides = array<i32>} : memref<40x1000xf32, #tpu.memory_space<vmem>>, vector<16xf32>,
        %get3A_158 = arith.index_cast %scan3A_129 : i32 to index
        %get3A_159 = arith.constant 80 : index
        %get3A_160 = tpu.vector_load %arg9[%get3A_158, %get3A_159] {strides = array<i32>} : memref<40x128xf32, #tpu.memory_space<vmem>>, vector<16xf32>,
        %swap3A_161 = arith.index_cast %scan3A_129 : i32 to index
        %swap3A_162 = arith.constant 976 : index
        %swap3A_163 = tpu.vector_load %arg7[%swap3A_161, %swap3A_162] {strides = array<i32>} : memref<40x1000xf32, #tpu.memory_space<vmem>>, vector<16xf32>,
        tpu.vector_store %arg7[%swap3A_161, %swap3A_162], %get3A_160 {strides = array<i32>} : memref<40x1000xf32, #tpu.memory_space<vmem>>, vector<16xf32>,
        %get3A_164 = arith.index_cast %scan3A_129 : i32 to index
        %get3A_165 = arith.constant 96 : index
        %get3A_166 = tpu.vector_load %arg9[%get3A_164, %get3A_165] {strides = array<i32>} : memref<40x128xf32, #tpu.memory_space<vmem>>, vector<16xf32>,
        %broadcast_in_dim3A_167 = vector.broadcast %scan3A_129 : i32 to vector<16xi32>
        tpu.vector_store_idx %arg7[%broadcast_in_dim3A_167, %select_n3A], %get3A_166 masked %lt3A_7 : memref<40x1000xf32, #tpu.memory_space<vmem>>[vector<16xi32>, vector<16xi32>], vector<16xf32>, vector<16xi1>
      }
      %scan3A_79 = arith.constant 40 : i32
      %mul3A_80 = arith.constant 40 : i32
      %mul3A_81 = arith.muli %mul3A_37, %mul3A_80 : i32
      %multiple_of3A_82 = tpu.assume_multiple %mul3A_81, 40 : i32
      %add3A_83 = arith.addi %mul3A_2, %multiple_of3A_82 : i32
      %dma_start3A_84 = arith.constant 0 : i32
      %dma_start3A_85 = tpu.memref_slice %arg5[%add3A_83, %dma_start3A_84] : memref<204800x1000xf32, #tpu.memory_space<hbm>> -> memref<40x1000xf32, #tpu.memory_space<hbm>>
      %dma_start3A_86 = arith.constant 0 : i32
      %dma_start3A_87 = tpu.memref_slice %arg5[%add3A_83, %dma_start3A_86] : memref<204800x1000xf32, #tpu.memory_space<hbm>> -> memref<40x1000xf32, #tpu.memory_space<hbm>>
      tpu.enqueue_dma source(%arg7 : memref<40x1000xf32, #tpu.memory_space<vmem>>) target(%dma_start3A_87 : memref<40x1000xf32, #tpu.memory_space<hbm>>) target_semaphore(%arg15 : memref<!tpu.dma_semaphore, #tpu.memory_space<semaphore_mem>>)
      %add3A_88 = arith.constant 2 : i32
      %add3A_89 = arith.addi %mul3A_37, %add3A_88 : i32
      %lt3A_90 = arith.constant 160 : i32
      %lt3A_91 = arith.cmpi slt, %add3A_89, %lt3A_90 : i32
      %convert_element_type3A_92 = arith.extui %lt3A_91 : i1 to i32
      %cond3A_93 = arith.constant 0 : i32
      %cond3A_94 = arith.cmpi ne, %convert_element_type3A_92, %cond3A_93 : i32
      scf.if %cond3A_94 {
        %add3A_129 = arith.constant 2 : i32
        %add3A_130 = arith.addi %mul3A_37, %add3A_129 : i32
        %ge3A_131 = arith.constant 2 : i32
        %ge3A_132 = arith.cmpi sge, %add3A_130, %ge3A_131 : i32
        %convert_element_type3A_133 = arith.extui %ge3A_132 : i1 to i32
        %cond3A_134 = arith.constant 0 : i32
        %cond3A_135 = arith.cmpi ne, %convert_element_type3A_133, %cond3A_134 : i32
        scf.if %cond3A_135 {
          %dma_wait3A_150 = arith.constant 0 : i32
          %dma_wait3A_151 = arith.constant 0 : i32
          %dma_wait3A_152 = tpu.memref_slice %arg5[%dma_wait3A_150, %dma_wait3A_151] : memref<204800x1000xf32, #tpu.memory_space<hbm>> -> memref<40x1000xf32, #tpu.memory_space<hbm>>
          %dma_wait3A_153 = arith.constant 0 : i32
          %dma_wait3A_154 = arith.constant 0 : i32
          %dma_wait3A_155 = tpu.memref_slice %arg5[%dma_wait3A_153, %dma_wait3A_154] : memref<204800x1000xf32, #tpu.memory_space<hbm>> -> memref<40x1000xf32, #tpu.memory_space<hbm>>
          tpu.wait_dma2 semaphore(%arg15 : memref<!tpu.dma_semaphore, #tpu.memory_space<semaphore_mem>>) src(%arg7 : memref<40x1000xf32, #tpu.memory_space<vmem>>) dst(%dma_wait3A_155 : memref<40x1000xf32, #tpu.memory_space<hbm>>)
        } else {
        }
        %mul3A_136 = arith.constant 40 : i32
        %mul3A_137 = arith.muli %add3A_130, %mul3A_136 : i32
        %multiple_of3A_138 = tpu.assume_multiple %mul3A_137, 40 : i32
        %dma_start3A_139 = arith.constant 0 : i32
        %dma_start3A_140 = arith.constant 0 : i32
        %dma_start3A_141 = tpu.memref_slice %arg7[%dma_start3A_139, %dma_start3A_140] : memref<40x1000xf32, #tpu.memory_space<vmem>> -> memref<40x896xf32, #tpu.memory_space<vmem>>
        %dma_start3A_142 = tpu.memref_slice %arg6[%multiple_of3A_138] : memref<6400xi32, #tpu.memory_space<vmem>> -> memref<40xi32, #tpu.memory_space<vmem>>
        %dma_start3A_143 = arith.constant 0 : i32
        %dma_start3A_144 = arith.constant 0 : i32
        %dma_start3A_145 = tpu.memref_slice %arg2[%dma_start3A_143, %dma_start3A_144] : memref<1000x896xf32, #tpu.memory_space<hbm>> -> memref<1000x896xf32, #tpu.memory_space<hbm>>
        tpu.enqueue_indirect_dma source(%dma_start3A_145 : memref<1000x896xf32, #tpu.memory_space<hbm>>) target(%dma_start3A_141 : memref<40x896xf32, #tpu.memory_space<vmem>>) offsets(%dma_start3A_142 : memref<40xi32, #tpu.memory_space<vmem>>) semaphore(%arg11 : memref<!tpu.dma_semaphore, #tpu.memory_space<semaphore_mem>>)
        %dma_start3A_146 = tpu.memref_slice %arg6[%multiple_of3A_138] : memref<6400xi32, #tpu.memory_space<vmem>> -> memref<40xi32, #tpu.memory_space<vmem>>
        %dma_start3A_147 = arith.constant 0 : i32
        %dma_start3A_148 = arith.constant 0 : i32
        %dma_start3A_149 = tpu.memref_slice %arg3[%dma_start3A_147, %dma_start3A_148] : memref<1000x128xf32, #tpu.memory_space<hbm>> -> memref<1000x128xf32, #tpu.memory_space<hbm>>
        tpu.enqueue_indirect_dma source(%dma_start3A_149 : memref<1000x128xf32, #tpu.memory_space<hbm>>) target(%arg9 : memref<40x128xf32, #tpu.memory_space<vmem>>) offsets(%dma_start3A_146 : memref<40xi32, #tpu.memory_space<vmem>>) semaphore(%arg13 : memref<!tpu.dma_semaphore, #tpu.memory_space<semaphore_mem>>)
      } else {
      }
      %add3A_95 = arith.constant 1 : i32
      %add3A_96 = arith.addi %mul3A_37, %add3A_95 : i32
      %dma_wait3A_97 = arith.constant 0 : i32
      %dma_wait3A_98 = arith.constant 0 : i32
      %dma_wait3A_99 = tpu.memref_slice %arg8[%dma_wait3A_97, %dma_wait3A_98] : memref<40x1000xf32, #tpu.memory_space<vmem>> -> memref<40x896xf32, #tpu.memory_space<vmem>>
      %dma_wait3A_100 = arith.constant 0 : i32
      %dma_wait3A_101 = arith.constant 0 : i32
      %dma_wait3A_102 = tpu.memref_slice %arg2[%dma_wait3A_100, %dma_wait3A_101] : memref<1000x896xf32, #tpu.memory_space<hbm>> -> memref<40x896xf32, #tpu.memory_space<hbm>>
      %dma_wait3A_103 = arith.constant 0 : i32
      %dma_wait3A_104 = arith.constant 0 : i32
      %dma_wait3A_105 = tpu.memref_slice %arg8[%dma_wait3A_103, %dma_wait3A_104] : memref<40x1000xf32, #tpu.memory_space<vmem>> -> memref<40x896xf32, #tpu.memory_space<vmem>>
      %dma_wait3A_106 = arith.constant 0 : i32
      %dma_wait3A_107 = arith.constant 0 : i32
      %dma_wait3A_108 = tpu.memref_slice %arg2[%dma_wait3A_106, %dma_wait3A_107] : memref<1000x896xf32, #tpu.memory_space<hbm>> -> memref<40x896xf32, #tpu.memory_space<hbm>>
      tpu.wait_dma2 semaphore(%arg12 : memref<!tpu.dma_semaphore, #tpu.memory_space<semaphore_mem>>) src(%dma_wait3A_108 : memref<40x896xf32, #tpu.memory_space<hbm>>) dst(%dma_wait3A_105 : memref<40x896xf32, #tpu.memory_space<vmem>>)
      %dma_wait3A_109 = arith.constant 0 : i32
      %dma_wait3A_110 = arith.constant 0 : i32
      %dma_wait3A_111 = tpu.memref_slice %arg3[%dma_wait3A_109, %dma_wait3A_110] : memref<1000x128xf32, #tpu.memory_space<hbm>> -> memref<40x128xf32, #tpu.memory_space<hbm>>
      %dma_wait3A_112 = arith.constant 0 : i32
      %dma_wait3A_113 = arith.constant 0 : i32
      %dma_wait3A_114 = tpu.memref_slice %arg3[%dma_wait3A_112, %dma_wait3A_113] : memref<1000x128xf32, #tpu.memory_space<hbm>> -> memref<40x128xf32, #tpu.memory_space<hbm>>
      tpu.wait_dma2 semaphore(%arg14 : memref<!tpu.dma_semaphore, #tpu.memory_space<semaphore_mem>>) src(%dma_wait3A_114 : memref<40x128xf32, #tpu.memory_space<hbm>>) dst(%arg10 : memref<40x128xf32, #tpu.memory_space<vmem>>)
      %scan3A_115 = arith.constant 0 : i32
      %scan3A_116 = arith.constant 0 : i32
      %scan3A_117 = arith.constant 40 : i32
      %scan3A_118 = arith.addi %scan3A_116, %scan3A_117 : i32
      %scan3A_119 = arith.constant 1 : i32
      scf.for %scan3A_129 = %scan3A_116 to %scan3A_118 step %scan3A_119  : i32 {
        %get3A = arith.index_cast %scan3A_129 : i32 to index
        %get3A_130 = arith.constant 0 : index
        %get3A_131 = tpu.vector_load %arg10[%get3A, %get3A_130] {strides = array<i32>} : memref<40x128xf32, #tpu.memory_space<vmem>>, vector<16xf32>,
        %swap3A = arith.index_cast %scan3A_129 : i32 to index
        %swap3A_132 = arith.constant 896 : index
        %swap3A_133 = tpu.vector_load %arg8[%swap3A, %swap3A_132] {strides = array<i32>} : memref<40x1000xf32, #tpu.memory_space<vmem>>, vector<16xf32>,
        tpu.vector_store %arg8[%swap3A, %swap3A_132], %get3A_131 {strides = array<i32>} : memref<40x1000xf32, #tpu.memory_space<vmem>>, vector<16xf32>,
        %get3A_134 = arith.index_cast %scan3A_129 : i32 to index
        %get3A_135 = arith.constant 16 : index
        %get3A_136 = tpu.vector_load %arg10[%get3A_134, %get3A_135] {strides = array<i32>} : memref<40x128xf32, #tpu.memory_space<vmem>>, vector<16xf32>,
        %swap3A_137 = arith.index_cast %scan3A_129 : i32 to index
        %swap3A_138 = arith.constant 912 : index
        %swap3A_139 = tpu.vector_load %arg8[%swap3A_137, %swap3A_138] {strides = array<i32>} : memref<40x1000xf32, #tpu.memory_space<vmem>>, vector<16xf32>,
        tpu.vector_store %arg8[%swap3A_137, %swap3A_138], %get3A_136 {strides = array<i32>} : memref<40x1000xf32, #tpu.memory_space<vmem>>, vector<16xf32>,
        %get3A_140 = arith.index_cast %scan3A_129 : i32 to index
        %get3A_141 = arith.constant 32 : index
        %get3A_142 = tpu.vector_load %arg10[%get3A_140, %get3A_141] {strides = array<i32>} : memref<40x128xf32, #tpu.memory_space<vmem>>, vector<16xf32>,
        %swap3A_143 = arith.index_cast %scan3A_129 : i32 to index
        %swap3A_144 = arith.constant 928 : index
        %swap3A_145 = tpu.vector_load %arg8[%swap3A_143, %swap3A_144] {strides = array<i32>} : memref<40x1000xf32, #tpu.memory_space<vmem>>, vector<16xf32>,
        tpu.vector_store %arg8[%swap3A_143, %swap3A_144], %get3A_142 {strides = array<i32>} : memref<40x1000xf32, #tpu.memory_space<vmem>>, vector<16xf32>,
        %get3A_146 = arith.index_cast %scan3A_129 : i32 to index
        %get3A_147 = arith.constant 48 : index
        %get3A_148 = tpu.vector_load %arg10[%get3A_146, %get3A_147] {strides = array<i32>} : memref<40x128xf32, #tpu.memory_space<vmem>>, vector<16xf32>,
        %swap3A_149 = arith.index_cast %scan3A_129 : i32 to index
        %swap3A_150 = arith.constant 944 : index
        %swap3A_151 = tpu.vector_load %arg8[%swap3A_149, %swap3A_150] {strides = array<i32>} : memref<40x1000xf32, #tpu.memory_space<vmem>>, vector<16xf32>,
        tpu.vector_store %arg8[%swap3A_149, %swap3A_150], %get3A_148 {strides = array<i32>} : memref<40x1000xf32, #tpu.memory_space<vmem>>, vector<16xf32>,
        %get3A_152 = arith.index_cast %scan3A_129 : i32 to index
        %get3A_153 = arith.constant 64 : index
        %get3A_154 = tpu.vector_load %arg10[%get3A_152, %get3A_153] {strides = array<i32>} : memref<40x128xf32, #tpu.memory_space<vmem>>, vector<16xf32>,
        %swap3A_155 = arith.index_cast %scan3A_129 : i32 to index
        %swap3A_156 = arith.constant 960 : index
        %swap3A_157 = tpu.vector_load %arg8[%swap3A_155, %swap3A_156] {strides = array<i32>} : memref<40x1000xf32, #tpu.memory_space<vmem>>, vector<16xf32>,
        tpu.vector_store %arg8[%swap3A_155, %swap3A_156], %get3A_154 {strides = array<i32>} : memref<40x1000xf32, #tpu.memory_space<vmem>>, vector<16xf32>,
        %get3A_158 = arith.index_cast %scan3A_129 : i32 to index
        %get3A_159 = arith.constant 80 : index
        %get3A_160 = tpu.vector_load %arg10[%get3A_158, %get3A_159] {strides = array<i32>} : memref<40x128xf32, #tpu.memory_space<vmem>>, vector<16xf32>,
        %swap3A_161 = arith.index_cast %scan3A_129 : i32 to index
        %swap3A_162 = arith.constant 976 : index
        %swap3A_163 = tpu.vector_load %arg8[%swap3A_161, %swap3A_162] {strides = array<i32>} : memref<40x1000xf32, #tpu.memory_space<vmem>>, vector<16xf32>,
        tpu.vector_store %arg8[%swap3A_161, %swap3A_162], %get3A_160 {strides = array<i32>} : memref<40x1000xf32, #tpu.memory_space<vmem>>, vector<16xf32>,
        %get3A_164 = arith.index_cast %scan3A_129 : i32 to index
        %get3A_165 = arith.constant 96 : index
        %get3A_166 = tpu.vector_load %arg10[%get3A_164, %get3A_165] {strides = array<i32>} : memref<40x128xf32, #tpu.memory_space<vmem>>, vector<16xf32>,
        %broadcast_in_dim3A_167 = vector.broadcast %scan3A_129 : i32 to vector<16xi32>
        tpu.vector_store_idx %arg8[%broadcast_in_dim3A_167, %select_n3A], %get3A_166 masked %lt3A_7 : memref<40x1000xf32, #tpu.memory_space<vmem>>[vector<16xi32>, vector<16xi32>], vector<16xf32>, vector<16xi1>
      }
      %scan3A_120 = arith.constant 40 : i32
      %mul3A_121 = arith.constant 40 : i32
      %mul3A_122 = arith.muli %add3A_96, %mul3A_121 : i32
      %multiple_of3A_123 = tpu.assume_multiple %mul3A_122, 40 : i32
      %add3A_124 = arith.addi %mul3A_2, %multiple_of3A_123 : i32
      %dma_start3A_125 = arith.constant 0 : i32
      %dma_start3A_126 = tpu.memref_slice %arg5[%add3A_124, %dma_start3A_125] : memref<204800x1000xf32, #tpu.memory_space<hbm>> -> memref<40x1000xf32, #tpu.memory_space<hbm>>
      %dma_start3A_127 = arith.constant 0 : i32
      %dma_start3A_128 = tpu.memref_slice %arg5[%add3A_124, %dma_start3A_127] : memref<204800x1000xf32, #tpu.memory_space<hbm>> -> memref<40x1000xf32, #tpu.memory_space<hbm>>
      tpu.enqueue_dma source(%arg8 : memref<40x1000xf32, #tpu.memory_space<vmem>>) target(%dma_start3A_128 : memref<40x1000xf32, #tpu.memory_space<hbm>>) target_semaphore(%arg16 : memref<!tpu.dma_semaphore, #tpu.memory_space<semaphore_mem>>)
    }
    %scan3A_23 = arith.constant 80 : i32
    %dma_wait3A = arith.constant 0 : i32
    %dma_wait3A_24 = arith.constant 0 : i32
    %dma_wait3A_25 = tpu.memref_slice %arg5[%dma_wait3A, %dma_wait3A_24] : memref<204800x1000xf32, #tpu.memory_space<hbm>> -> memref<40x1000xf32, #tpu.memory_space<hbm>>
    %dma_wait3A_26 = arith.constant 0 : i32
    %dma_wait3A_27 = arith.constant 0 : i32
    %dma_wait3A_28 = tpu.memref_slice %arg5[%dma_wait3A_26, %dma_wait3A_27] : memref<204800x1000xf32, #tpu.memory_space<hbm>> -> memref<40x1000xf32, #tpu.memory_space<hbm>>
    tpu.wait_dma2 semaphore(%arg15 : memref<!tpu.dma_semaphore, #tpu.memory_space<semaphore_mem>>) src(%arg7 : memref<40x1000xf32, #tpu.memory_space<vmem>>) dst(%dma_wait3A_28 : memref<40x1000xf32, #tpu.memory_space<hbm>>)
    %dma_wait3A_29 = arith.constant 0 : i32
    %dma_wait3A_30 = arith.constant 0 : i32
    %dma_wait3A_31 = tpu.memref_slice %arg5[%dma_wait3A_29, %dma_wait3A_30] : memref<204800x1000xf32, #tpu.memory_space<hbm>> -> memref<40x1000xf32, #tpu.memory_space<hbm>>
    %dma_wait3A_32 = arith.constant 0 : i32
    %dma_wait3A_33 = arith.constant 0 : i32
    %dma_wait3A_34 = tpu.memref_slice %arg5[%dma_wait3A_32, %dma_wait3A_33] : memref<204800x1000xf32, #tpu.memory_space<hbm>> -> memref<40x1000xf32, #tpu.memory_space<hbm>>
    tpu.wait_dma2 semaphore(%arg16 : memref<!tpu.dma_semaphore, #tpu.memory_space<semaphore_mem>>) src(%arg8 : memref<40x1000xf32, #tpu.memory_space<vmem>>) dst(%dma_wait3A_34 : memref<40x1000xf32, #tpu.memory_space<hbm>>)
    return
  }
}

</mosaic_0001>

<sc_bundles>
// kernel: kernel.3.cloned.1.call-start
scs
__scs_entry_jumppad:
0x0: {  	(pc) =	sbr.rel $0x88, $3  }
0x1: {  	(tag) =	ssettag $0x0;
	lr =	simm.s32 $0x1  }
0x2: {  	[smem:$0x3F9F] =	sst lr;
	_ =	strace $0xD0000000  }
0x3: {  	_ = 	snop  }
0x4: {  	_ = 	snop  }
0x5: {  	_ = 	snop  }
0x6: {  	_ = 	snop  }
0x7: {  	_ = 	snop  }
__scs_overlays_trampoline_lowered:
0x8: {  	[smem:$0x3FAE] =	sst s0  }
0x9: {  	[smem:$0x3FAF] =	sst s1  }
0xa: {  	[smem:$0x3FB0] =	sst s2  }
0xb: {  	[smem:$0x3FB1] =	sst s3  }
0xc: {  	[smem:$0x3FB2] =	sst s4  }
0xd: {  	[smem:$0x3FB3] =	sst s5  }
0xe: {  	[smem:$0x3FB4] =	sst s6  }
0xf: {  	[smem:$0x3FB5] =	sst s7  }
0x10: {  	[smem:$0x3FB6] =	sst s8  }
0x11: {  	[smem:$0x3FB7] =	sst s9;
	s0 =	simm.s32 @!p0 $0x0  }
0x12: {  	s1 =	sld [smem:$0x3F9D];
	s0 =	simm.s32 @p0 $0x1  }
0x13: {  	[smem:$0x3FB8] =	sst s0;
	s0 =	simm.s32 @!p1 $0x0  }
0x14: {  	s2 =	sld [smem:$0x3F9C];
	s0 =	simm.s32 @p1 $0x1  }
0x15: {  	[smem:$0x3FB9] =	sst s0;
	s0 =	simm.s32 @!p2 $0x0  }
0x16: {  	s3 =	sld [smem:$0x3FDB];
	s0 =	simm.s32 @p2 $0x1  }
0x17: {  	s4 =	simm.s32 $0x1BF5;
	[smem:$0x3FBB] =	sst s0  }
0x18: {  	s0 =	sld [smem:$0x3F9E];
	_ =	swait.ge [sflag:s4], $0x0  }
0x19: {  	s7 =	sld [smem:$0x3F9F]  }
0x1a: {  	s8 =	sadd.s32 $0xFFFFE003, lr  }
0x1b: {  	s9 =	sadd.s32 $0xFFFFFEF7, lr;
	s5 =	simm.s32 $0xFFFFFFFF;
	p2 =	slt.u32 s8, $0xFFFFF086  }
0x1c: {  	p1 =	slt.u32 s9, $0xF7A;
	s5 =	simm.s32 @!p2 $0x0  }
0x1d: {  	s5 =	simm.s32 @p1 $0x1;
	p0 =	seq.s32 s7, s2  }
0x1e: {  	s7 =	smul.u32 @!p0 $0xF7A, s2;
	p2 =	seq.s32 @!p0 s5, $0x0  }
0x1f: {  	s9 =	smul.u32 $0xF7A, s1;
	s8 =	simm.s32 @!p0 $0x1BF5;
	p2 =	por !p2, p0  }
0x20: {  	[sflag:s8] =	ssyncset.s32 @!p0 $0xFFFFF086;
	s6 =	sadd.s32 @!p0 s3, s7;
	s7 =	simm.s32 @!p0 $0x108  }
0x21: {  	s3 =	sadd.s32 s3, s9;
	s6 =	sadd.s32 @!p0 $0x88, s6;
	s7 =	simm.s32 @p2 $0x1082  }
0x22: {  	[simem:s7], [sflag:s8] =	dma.local @!p0 [hbm:s6], $0xF7A  }
0x23: {  	s9 =	sor.u32 $0xD0000000, s2;
	s6 =	simm.s32 $0x108;
	_ =	swait.ge @!p0 [sflag:s8], $0x0  }
0x24: {  	s3 =	sadd.s32 $0x88, s3;
	s6 =	simm.s32 @!p1 $0x1082;
	[sflag:s4] =	ssyncset.s32 $0xFFFFF086  }
0x25: {  	[simem:s6], [sflag:s4] =	dma.local [hbm:s3], $0xF7A  }
0x26: {  	[smem:$0x3F9F] =	sst s1;
	(tag) =	ssettag s2;
	_ =	strace s9  }
0x27: {  	s1 =	sld [smem:$0x3FAF]  }
0x28: {  	s2 =	sld [smem:$0x3FB0]  }
0x29: {  	s4 =	sld [smem:$0x3FB2]  }
0x2a: {  	p0 =	seq.s32 s5, $0x0;
	s5 =	sld [smem:$0x3FB3]  }
0x2b: {  	s6 =	sld [smem:$0x3FB4]  }
0x2c: {  	s7 =	sld [smem:$0x3FB5]  }
0x2d: {  	s3 =	simm.s32 $0x108;
	s8 =	sld [smem:$0x3FB6]  }
0x2e: {  	s3 =	simm.s32 @!p0 $0x1082;
	s9 =	sld [smem:$0x3FB7]  }
0x2f: {  	lr =	sadd.s32 s0, s3;
	s0 =	sld [smem:$0x3FAE]  }
0x30: {  	s3 =	sld [smem:$0x3FB1]  }
0x31: {  	[smem:$0x3FBA] =	sst s10  }
0x32: {  	s10 =	sld [smem:$0x3FB8];
	_ =	sdelay $0x3  }
0x33: {  	p0 =	seq.s32 s10, $0x1;
	s10 =	sld [smem:$0x3FBA];
	_ =	sdelay $0x3  }
0x34: {  	[smem:$0x3FBA] =	sst s10  }
0x35: {  	s10 =	sld [smem:$0x3FB9];
	_ =	sdelay $0x3  }
0x36: {  	p1 =	seq.s32 s10, $0x1;
	s10 =	sld [smem:$0x3FBA];
	_ =	sdelay $0x3  }
0x37: {  	[smem:$0x3FBA] =	sst s10  }
0x38: {  	s10 =	sld [smem:$0x3FBB]  }
0x39: {  	_ = 	snop;
	(pc) =	sbr.ind lr, $3  }
0x3a: {  	_ = 	snop  }
0x3b: {  	_ = 	snop  }
0x3c: {  	p2 =	seq.s32 s10, $0x1;
	s10 =	sld [smem:$0x3FBA]  }
0x3d: {  	_ =	shalt  }
0x3e: {  	_ =	shalt  }
0x3f: {  	_ =	shalt  }
0x40: {  	_ =	shalt  }
0x41: {  	_ =	shalt  }
0x42: {  	_ =	shalt  }
0x43: {  	_ =	shalt  }
0x44: {  	_ =	shalt  }
0x45: {  	_ =	shalt  }
0x46: {  	_ =	shalt  }
0x47: {  	_ =	shalt  }
0x48: {  	_ =	shalt  }
0x49: {  	_ =	shalt  }
0x4a: {  	_ =	shalt  }
0x4b: {  	_ =	shalt  }
0x4c: {  	_ =	shalt  }
0x4d: {  	_ =	shalt  }
0x4e: {  	_ =	shalt  }
0x4f: {  	_ =	shalt  }
0x50: {  	_ =	shalt  }
0x51: {  	_ =	shalt  }
0x52: {  	_ =	shalt  }
0x53: {  	_ =	shalt  }
0x54: {  	_ =	shalt  }
0x55: {  	_ =	shalt  }
0x56: {  	_ =	shalt  }
0x57: {  	_ =	shalt  }
0x58: {  	_ =	shalt  }
0x59: {  	_ =	shalt  }
0x5a: {  	_ =	shalt  }
0x5b: {  	_ =	shalt  }
0x5c: {  	_ =	shalt  }
0x5d: {  	_ =	shalt  }
0x5e: {  	_ =	shalt  }
0x5f: {  	_ =	shalt  }
0x60: {  	_ =	shalt  }
0x61: {  	_ =	shalt  }
0x62: {  	_ =	shalt  }
0x63: {  	_ =	shalt  }
0x64: {  	_ =	shalt  }
0x65: {  	_ =	shalt  }
0x66: {  	_ =	shalt  }
0x67: {  	_ =	shalt  }
0x68: {  	_ =	shalt  }
0x69: {  	_ =	shalt  }
0x6a: {  	_ =	shalt  }
0x6b: {  	_ =	shalt  }
0x6c: {  	_ =	shalt  }
0x6d: {  	_ =	shalt  }
0x6e: {  	_ =	shalt  }
0x6f: {  	_ =	shalt  }
0x70: {  	_ =	shalt  }
0x71: {  	_ =	shalt  }
0x72: {  	_ =	shalt  }
0x73: {  	_ =	shalt  }
0x74: {  	_ =	shalt  }
0x75: {  	_ =	shalt  }
0x76: {  	_ =	shalt  }
0x77: {  	_ =	shalt  }
0x78: {  	_ =	shalt  }
0x79: {  	_ =	shalt  }
0x7a: {  	_ =	shalt  }
0x7b: {  	_ =	shalt  }
0x7c: {  	_ =	shalt  }
0x7d: {  	_ =	shalt  }
0x7e: {  	_ =	shalt  }
0x7f: {  	_ =	shalt  }
0x80: {  	_ =	shalt  }
0x81: {  	_ =	shalt  }
0x82: {  	_ =	shalt  }
0x83: {  	_ =	shalt  }
0x84: {  	_ =	shalt  }
0x85: {  	_ =	shalt  }
0x86: {  	_ =	shalt  }
0x87: {  	_ =	shalt  }
.Lfunc_end0:
.L_simem_size_0:
called_computation.1_lowered:
.L_overlay_start_0:
0x88: {  	s2 =	sld [smem:$0x3FD9]  }
0x89: {  	s3 =	sld [smem:$0x3FFE];
	_ =	sdelay $0x1  }
0x8a: {  	s1 =	srdreg.scid  }
0x8b: {  	s0 =	sand.u32 $0x1, s1  }
0x8c: {  	s17 =	sshll.u32 s0, $0xA;
	s2 =	sadd.s32 s3, s2  }
0x8d: {  	s2 =	sadd.s32 s2, s17  }
0x8e: {  	[smem:$0x3FC6] =	sst s2  }
0x8f: {  	_ = 	snop  }
0x90: {  	s2 =	sld [smem:$0x3FD0];
	(tm) =	ssettm $0x1  }
0x91: {  	s18 =	sld [smem:$0x3FFB];
	_ =	sdelay $0x3  }
0x92: {  	_ =	strace s18  }
0x93: {  	s3 =	sld [smem:$0x3FFC];
	_ =	sdelay $0x3  }
0x94: {  	_ =	strace s3  }
0x95: {  	s3 =	sld [smem:$0x3FFD];
	_ =	sdelay $0x3  }
0x96: {  	_ =	strace s3  }
0x97: {  	_ =	strace $0x8FFFFFFF  }
0x98: {  	s19 =	sld [smem:$0x3FDB];
	_ =	sdelay $0x1  }
0x99: {  	s4 =	simm.s32 $_scs_section_size  }
0x9a: {  	s5 =	simm.s32 $_size__tile_overlayer_lowered;
	s6 =	simm.s32 $_tile_overlayer_lowered  }
0x9b: {  	s22 =	simm.s32 $0x1BFF;
	s21 =	sshll.u32 s6, $0x1;
	s3 =	sadd.s32 s4, s19  }
0x9c: {  	s7 =	simm.s32 $0x0;
	s20 =	sshll.u32 s5, $0x1;
	s5 =	sadd.s32 s21, s3  }
0x9d: {  	[timem:s7], [sflag:s22] =	dma.local [hbm:s5], s20  }
0x9e: {  	_ =	swait.ge [sflag:s22], s20  }
0x9f: {  	s4 =	ssub.s32 $0x0, s20;
	[sflag:s22] =	ssyncset.done $0x0  }
0xa0: {  	[sflag:s22] =	ssyncadd.s32 s4;
	_ =	sdelay $0x1  }
0xa1: {  	s23 =	simm.s32 $0x1B8B  }
0xa2: {  	_ =	swait.ge [sflag:s23], $0x1  }
0xa3: {  	[sflag:s23] =	ssyncset.done $0x0  }
0xa4: {  	s25 =	simm.s32 $0x1B8E;
	s24 =	sld [smem:$0x3FFE];
	[sflag:s23] =	ssyncadd.s32 $0xFFFFFFFF  }
0xa5: {  	s26 =	simm.s32 $execute0_lowered;
	[smem:$0x3FD2] =	sst s25  }
0xa6: {  	s5 =	sshll.u32 s26, $0x1;
	_ =	strace $0x80000046;
	[dreg:$0x1] =	wrdreg $0xFFFFFFFF  }
0xa7: {  	s28 =	simm.s32 $_size_execute0_lowered;
	s3 =	sadd.s32 s3, s5;
	[dreg:$0x0] =	wrdreg $0x0  }
0xa8: {  	s5 =	sshll.u32 s28, $0x1;
	[dreg:$0x2] =	wrdreg s3  }
0xa9: {  	[dreg:$0x3] =	wrdreg s5  }
0xaa: {  	[dreg:$0x4] =	wrdreg $0xC0  }
0xab: {  	_ =	task [dreg:s7], $0x5FFFF  }
0xac: {  	[dreg:$0x1] =	wrdreg $0xFFFFFFFF  }
0xad: {  	[dreg:$0x0] =	wrdreg $0x60  }
0xae: {  	[dreg:$0x2] =	wrdreg s2  }
0xaf: {  	[dreg:$0x3] =	wrdreg s24  }
0xb0: {  	[dreg:$0x4] =	wrdreg $0x9  }
0xb1: {  	_ =	task.clear_ibuf [dreg:s7], $0x5FFFF;
	_ =	strace $0x90000046  }
0xb2: {  	s29 =	simm.s32 $0x9;
	_ =	strace $0x80000048  }
0xb3: {  	_ =	swait.ge [sflag:s29], $0x1  }
0xb4: {  	[sflag:s29] =	ssyncadd.s32 $0xFFFFFFFF  }
0xb5: {  	_ =	strace $0x90000048  }
0xb6: {  	_ =	sfence  }
0xb7: {  	s30 =	sld [smem:$0x0];
	_ =	sdelay $0x2  }
0xb8: {  	s31 =	sshll.u32 s1, $0xD;
	s1 =	sshrl.u32 s1, $0x2  }
0xb9: {  	s3 =	sand.u32 $0x4000, s31;
	s1 =	sadd.s32 s1, s30  }
0xba: {  	s0 =	sor.u32 s3, s0;
	s1 =	sshll.u32 s1, $0x11  }
0xbb: {  	s0 =	sor.u32 s1, s0  }
0xbc: {  	s0 =	sadd.s32 $0x8F2B, s0  }
0xbd: {  	[sflag:s0] =	ssyncadd.remote.s32 $0x1  }
0xbe: {  	_ =	sfence.sel $0xFFFF  }
0xbf: {  	[dreg:$0x0] =	wrdreg $0xFFFFFFFF;
	(pc) =	sbr.abs _section_cstart, $3  }
0xc0: {  	[dreg:$0x1] =	wrdreg $0xFFFFFFFF  }
0xc1: {  	_ =	task.clear_ibuf [dreg:s7], $0x2FFFF;
	_ =	strace $0x9FFFFFFF  }
0xc2: {  	(tm) =	ssettm $0x7FFFFFFF  }
0xc3: {  	_ =	shalt  }
tec
execute0_lowered:
.L_overlay_start_1:
0x0: {  	(tag) =	ssettag $0x1  }
0x1: {  	s2 =	rddreg [dreg:$0x0]  }
0x2: {  	s0 =	srdreg.scid;
	s3 =	stileid.u32  }
0x3: {  	s1 =	rddreg [dreg:$0x1];
	s13 =	simm.s32 $0x1900;
	s12 =	simm.s32 $0xB900  }
0x4: {  	s30 =	simm.s32 $0x13900;
	s31 =	simm.s32 $0x14100;
	s11 =	simm.s32 $0x16D00  }
0x5: {  	s14 =	simm.s32 $0x1;
	s15 =	simm.s32 $0x3;
	s16 =	simm.s32 $0x2  }
0x6: {  	s17 =	simm.s32 $0x4;
	s18 =	simm.s32 $0x5;
	s21 =	simm.s32 $0x0  }
0x7: {  	v0 =	vimm.s32 $0x1C67;
	vm0 =	vcmask $0x300;
	s0 =	sand.u32 $0x1, s0;
	s4 =	sshll.u32 s3, $0x1;
	s3 =	simm.s32 $0x0  }
0x8: {  	s5 =	sadd.s32 $0x6C00, s1;
	s8 =	sadd.s32 $0x100, s2;
	v0 =	vsel vm0, $0x1C60, v0;
	vm0 =	vcmask $0x704;
	s4 =	sor.u32 s0, s4  }
0x9: {  	v2 =	vlaneseq.u32;
	s9 =	sadd.s32 $0x200, s2;
	s0 =	ssub.s32 $0x2, s0;
	v1 =	vsel vm0, $0x1C61, v0;
	vm0 =	vcmask $0xB08;
	s4 =	smul.u32 $0x1900, s4  }
0xa: {  	vm1 =	vcmask $0x1714;
	s10 =	sadd.s32 $0x300, s2;
	[smem:$0x7FF] =	sst s3;
	s28 =	sshrl.u32 s0, $0x1;
	v1 =	vsel vm0, $0x1C62, v1;
	vm0 =	vcmask $0xF0C  }
0xb: {  	v3 =	vshrl.u32 v2, $0x3;
	_ =	strace $0x80000047;
	s0 =	ssub.s32 s0, s28;
	v4 =	vsel vm0, $0x1C63, v1;
	vm0 =	vcmask $0x1310;
	s6 =	sshrl.u32 s4, $0x3  }
0xc: {  	vm2 =	vcmask $0x1B18;
	v1 =	vmul.u32 $0x8, v3;
	s0 =	smax.u32 s0, $0x1;
	v3 =	vsel vm0, $0x1C64, v4;
	s7 =	sadd.s32 s6, s1;
	s6 =	sadd.s32 $0xAC00, s1  }
0xd: {  	v0 =	vand.u32 $0x7, v2;
	v2 =	vor.u32 $0x8, v2;
	[dreg:$0x4] =	wrdreg s0;
	s1 =	simm.s32 $0x14900;
	v3 =	vsel vm1, $0x1C65, v3;
	s29 =	sadd.s32 $0x800, s7  }
0xe: {  	vm0 =	vmmov $0xffff;
	s0 =	simm.s32 $0x15100;
	vm1 =	vmmov $0xff;
	s7 =	simm.s32 $0x28;
	v3 =	vsel vm2, $0x1C66, v3;
	[dreg:$0x3] =	wrdreg s29  }
.LBB2_1:
0xf: {  	[dreg:$0x5] =	wrdreg s21  }
0x10: {  	s19 =	rddreg [dreg:$0x3];
	s26 =	simm.s32 $0x7  }
0x11: {  	[tilespmem:s3], [sflag:$0x7] =	stream.linear.gather [hbm4b:s19+s3], $0x1900, $0x38;
	[tilespmem:$0x18100] =	vst v63  }
0x12: {  	_ =	swait.ge [sflag:s26], $0x1900  }
0x13: {  	[sflag:s26] =	ssyncset.done $0x0  }
0x14: {  	[sflag:s26] =	ssyncadd.s32 $0xFFFFE700  }
0x15: {  	v4 =	vld [tilespmem:$0x0];
	_ =	sdelay $0x4  }
0x16: {  	v5 =	vshrl.u32 v4, $0x3  }
0x17: {  	v5 =	vmul.u32 $0x38, v5  }
0x18: {  	v4 =	vand.u32 $0x7, v4  }
0x19: {  	v4 =	vor.u32 v4, v5  }
0x1a: {  	v5 =	vperm.xlane v4, v0;
	_ =	sdelay $0x1  }
0x1b: {  	v5 =	vadd.s32 v1, v5;
	_ =	sdelay $0x4  }
0x1c: {  	[tilespmem:s13], [sflag:$0x1] =	stream.indirect_vreg.gather [hbm4b:s2+s3], $0x80, v5, vm0, $0xb8;
	[tilespmem:$0x18100] =	vst v63  }
0x1d: {  	s28 =	simm.s32 $0x2100;
	v4 =	vperm.xlane v4, v2  }
0x1e: {  	[tilespmem:s28], [sflag:$0x1] =	stream.indirect_vreg.gather [hbm4b:s8+s3], $0x80, v5, vm0, $0xb8;
	[tilespmem:$0x18100] =	vst v63  }
0x1f: {  	s29 =	simm.s32 $0x2900;
	v4 =	vadd.s32 v1, v4  }
0x20: {  	[tilespmem:s29], [sflag:$0x1] =	stream.indirect_vreg.gather [hbm4b:s9+s3], $0x80, v5, vm0, $0xb8;
	[tilespmem:$0x18100] =	vst v63  }
0x21: {  	s20 =	simm.s32 $0x3100  }
0x22: {  	[tilespmem:s20], [sflag:$0x1] =	stream.indirect_vreg.gather [hbm4b:s10+s3], $0x80, v5, vm1, $0xb8;
	[tilespmem:$0x18100] =	vst v63  }
0x23: {  	s21 =	simm.s32 $0x3900  }
0x24: {  	[tilespmem:s21], [sflag:$0x1] =	stream.indirect_vreg.gather [hbm4b:s2+s3], $0x80, v4, vm0, $0xb8;
	[tilespmem:$0x18100] =	vst v63  }
0x25: {  	s22 =	simm.s32 $0x4100  }
0x26: {  	[tilespmem:s22], [sflag:$0x1] =	stream.indirect_vreg.gather [hbm4b:s8+s3], $0x80, v4, vm0, $0xb8;
	[tilespmem:$0x18100] =	vst v63  }
0x27: {  	s23 =	simm.s32 $0x4900  }
0x28: {  	[tilespmem:s23], [sflag:$0x1] =	stream.indirect_vreg.gather [hbm4b:s9+s3], $0x80, v4, vm0, $0xb8;
	[tilespmem:$0x18100] =	vst v63  }
0x29: {  	s24 =	simm.s32 $0x5100  }
0x2a: {  	[tilespmem:s24], [sflag:$0x1] =	stream.indirect_vreg.gather [hbm4b:s10+s3], $0x80, v4, vm1, $0xb8;
	[tilespmem:$0x18100] =	vst v63  }
0x2b: {  	v4 =	vld [tilespmem:$0x10];
	_ =	sdelay $0x4  }
0x2c: {  	v5 =	vshrl.u32 v4, $0x3  }
0x2d: {  	v5 =	vmul.u32 $0x38, v5  }
0x2e: {  	v4 =	vand.u32 $0x7, v4  }
0x2f: {  	v4 =	vor.u32 v4, v5  }
0x30: {  	v5 =	vperm.xlane v4, v0;
	_ =	sdelay $0x1  }
0x31: {  	v5 =	vadd.s32 v1, v5;
	_ =	sdelay $0x3  }
0x32: {  	s25 =	simm.s32 $0x5900  }
0x33: {  	[tilespmem:s25], [sflag:$0x1] =	stream.indirect_vreg.gather [hbm4b:s2+s3], $0x80, v5, vm0, $0xb8;
	[tilespmem:$0x18100] =	vst v63  }
0x34: {  	s26 =	simm.s32 $0x6100;
	v4 =	vperm.xlane v4, v2  }
0x35: {  	[tilespmem:s26], [sflag:$0x1] =	stream.indirect_vreg.gather [hbm4b:s8+s3], $0x80, v5, vm0, $0xb8;
	[tilespmem:$0x18100] =	vst v63  }
0x36: {  	s28 =	simm.s32 $0x6900;
	v4 =	vadd.s32 v1, v4  }
0x37: {  	[tilespmem:s28], [sflag:$0x1] =	stream.indirect_vreg.gather [hbm4b:s9+s3], $0x80, v5, vm0, $0xb8;
	[tilespmem:$0x18100] =	vst v63  }
0x38: {  	s29 =	simm.s32 $0x7100  }
0x39: {  	[tilespmem:s29], [sflag:$0x1] =	stream.indirect_vreg.gather [hbm4b:s10+s3], $0x80, v5, vm1, $0xb8;
	[tilespmem:$0x18100] =	vst v63  }
0x3a: {  	s20 =	simm.s32 $0x7900  }
0x3b: {  	[tilespmem:s20], [sflag:$0x1] =	stream.indirect_vreg.gather [hbm4b:s2+s3], $0x80, v4, vm0, $0xb8;
	[tilespmem:$0x18100] =	vst v63  }
0x3c: {  	s21 =	simm.s32 $0x8100  }
0x3d: {  	[tilespmem:s21], [sflag:$0x1] =	stream.indirect_vreg.gather [hbm4b:s8+s3], $0x80, v4, vm0, $0xb8;
	[tilespmem:$0x18100] =	vst v63  }
0x3e: {  	s22 =	simm.s32 $0x8900  }
0x3f: {  	[tilespmem:s22], [sflag:$0x1] =	stream.indirect_vreg.gather [hbm4b:s9+s3], $0x80, v4, vm0, $0xb8;
	[tilespmem:$0x18100] =	vst v63  }
0x40: {  	s23 =	simm.s32 $0x9100  }
0x41: {  	[tilespmem:s23], [sflag:$0x1] =	stream.indirect_vreg.gather [hbm4b:s10+s3], $0x80, v4, vm1, $0xb8;
	[tilespmem:$0x18100] =	vst v63  }
0x42: {  	v4 =	vld.msk [tilespmem:$0x20], $0xff;
	_ =	sdelay $0x4  }
0x43: {  	v5 =	vshrl.u32 v4, $0x3  }
0x44: {  	v5 =	vmul.u32 $0x38, v5  }
0x45: {  	v4 =	vand.u32 $0x7, v4  }
0x46: {  	v4 =	vor.u32 v4, v5  }
0x47: {  	v4 =	vperm.xlane v4, v0;
	_ =	sdelay $0x1  }
0x48: {  	v4 =	vadd.s32 v1, v4;
	_ =	sdelay $0x3  }
0x49: {  	s24 =	simm.s32 $0x9900  }
0x4a: {  	[tilespmem:s24], [sflag:$0x1] =	stream.indirect_vreg.gather [hbm4b:s2+s3], $0x80, v4, vm0, $0xb8;
	[tilespmem:$0x18100] =	vst v63  }
0x4b: {  	s25 =	simm.s32 $0xA100  }
0x4c: {  	[tilespmem:s25], [sflag:$0x1] =	stream.indirect_vreg.gather [hbm4b:s8+s3], $0x80, v4, vm0, $0xb8;
	[tilespmem:$0x18100] =	vst v63  }
0x4d: {  	s26 =	simm.s32 $0xA900  }
0x4e: {  	[tilespmem:s26], [sflag:$0x1] =	stream.indirect_vreg.gather [hbm4b:s9+s3], $0x80, v4, vm0, $0xb8;
	[tilespmem:$0x18100] =	vst v63  }
0x4f: {  	s28 =	simm.s32 $0xB100  }
0x50: {  	[tilespmem:s28], [sflag:$0x1] =	stream.indirect_vreg.gather [hbm4b:s10+s3], $0x80, v4, vm1, $0xb8;
	[tilespmem:$0x18100] =	vst v63  }
0x51: {  	s19 =	simm.s32 $0x0;
	s29 =	simm.s32 $0x15900  }
0x52: {  	[tilespmem:s29], [sflag:$0x3] =	stream.indirect.gather [hbm4b:s5+s7], $0x80, s3, s7, $0xb8;
	[tilespmem:$0x18100] =	vst v63  }
.LBB2_2:
0x53: {  	p0 =	seq.s32 s19, $0x0  }
0x54: {  	s20 =	simm.s32 @!p0 $0x6  }
0x55: {  	_ =	swait.ge @!p0 [sflag:s20], $0xA000  }
0x56: {  	s21 =	smul.u32 $0x50, s19;
	[sflag:s20] =	ssyncset.done @!p0 $0x0  }
0x57: {  	[sflag:s20] =	ssyncadd.s32 @!p0 $0xFFFF6000  }
0x58: {  	v4 =	vld [tilespmem:s21+$0x28];
	_ =	sdelay $0x4  }
0x59: {  	v5 =	vshrl.u32 v4, $0x3  }
0x5a: {  	v5 =	vmul.u32 $0x38, v5  }
0x5b: {  	v4 =	vand.u32 $0x7, v4  }
0x5c: {  	v4 =	vor.u32 v4, v5  }
0x5d: {  	v5 =	vperm.xlane v4, v0;
	_ =	sdelay $0x1  }
0x5e: {  	v5 =	vadd.s32 v1, v5;
	_ =	sdelay $0x3  }
0x5f: {  	s22 =	simm.s32 $0x0  }
0x60: {  	[tilespmem:s12], [sflag:$0x2] =	stream.indirect_vreg.gather [hbm4b:s2+s22], $0x80, v5, vm0, $0xb8;
	[tilespmem:$0x18100] =	vst v63  }
0x61: {  	s25 =	simm.s32 $0xC100;
	v4 =	vperm.xlane v4, v2  }
0x62: {  	[tilespmem:s25], [sflag:$0x2] =	stream.indirect_vreg.gather [hbm4b:s8+s22], $0x80, v5, vm0, $0xb8;
	[tilespmem:$0x18100] =	vst v63  }
0x63: {  	s26 =	simm.s32 $0xC900;
	v4 =	vadd.s32 v1, v4  }
0x64: {  	[tilespmem:s26], [sflag:$0x2] =	stream.indirect_vreg.gather [hbm4b:s9+s22], $0x80, v5, vm0, $0xb8;
	[tilespmem:$0x18100] =	vst v63  }
0x65: {  	s28 =	simm.s32 $0xD100  }
0x66: {  	[tilespmem:s28], [sflag:$0x2] =	stream.indirect_vreg.gather [hbm4b:s10+s22], $0x80, v5, vm1, $0xb8;
	[tilespmem:$0x18100] =	vst v63  }
0x67: {  	s29 =	simm.s32 $0xD900  }
0x68: {  	[tilespmem:s29], [sflag:$0x2] =	stream.indirect_vreg.gather [hbm4b:s2+s22], $0x80, v4, vm0, $0xb8;
	[tilespmem:$0x18100] =	vst v63  }
0x69: {  	s23 =	simm.s32 $0xE100  }
0x6a: {  	[tilespmem:s23], [sflag:$0x2] =	stream.indirect_vreg.gather [hbm4b:s8+s22], $0x80, v4, vm0, $0xb8;
	[tilespmem:$0x18100] =	vst v63  }
0x6b: {  	s24 =	simm.s32 $0xE900  }
0x6c: {  	[tilespmem:s24], [sflag:$0x2] =	stream.indirect_vreg.gather [hbm4b:s9+s22], $0x80, v4, vm0, $0xb8;
	[tilespmem:$0x18100] =	vst v63  }
0x6d: {  	s25 =	simm.s32 $0xF100  }
0x6e: {  	[tilespmem:s25], [sflag:$0x2] =	stream.indirect_vreg.gather [hbm4b:s10+s22], $0x80, v4, vm1, $0xb8;
	[tilespmem:$0x18100] =	vst v63  }
0x6f: {  	v4 =	vld [tilespmem:s21+$0x38];
	_ =	sdelay $0x4  }
0x70: {  	v5 =	vshrl.u32 v4, $0x3  }
0x71: {  	v5 =	vmul.u32 $0x38, v5  }
0x72: {  	v4 =	vand.u32 $0x7, v4  }
0x73: {  	v4 =	vor.u32 v4, v5  }
0x74: {  	v5 =	vperm.xlane v4, v0;
	_ =	sdelay $0x1  }
0x75: {  	v5 =	vadd.s32 v1, v5;
	_ =	sdelay $0x3  }
0x76: {  	s26 =	simm.s32 $0xF900  }
0x77: {  	[tilespmem:s26], [sflag:$0x2] =	stream.indirect_vreg.gather [hbm4b:s2+s22], $0x80, v5, vm0, $0xb8;
	[tilespmem:$0x18100] =	vst v63  }
0x78: {  	s28 =	simm.s32 $0x10100;
	v4 =	vperm.xlane v4, v2  }
0x79: {  	[tilespmem:s28], [sflag:$0x2] =	stream.indirect_vreg.gather [hbm4b:s8+s22], $0x80, v5, vm0, $0xb8;
	[tilespmem:$0x18100] =	vst v63  }
0x7a: {  	s29 =	simm.s32 $0x10900;
	v4 =	vadd.s32 v1, v4  }
0x7b: {  	[tilespmem:s29], [sflag:$0x2] =	stream.indirect_vreg.gather [hbm4b:s9+s22], $0x80, v5, vm0, $0xb8;
	[tilespmem:$0x18100] =	vst v63  }
0x7c: {  	s23 =	simm.s32 $0x11100  }
0x7d: {  	[tilespmem:s23], [sflag:$0x2] =	stream.indirect_vreg.gather [hbm4b:s10+s22], $0x80, v5, vm1, $0xb8;
	[tilespmem:$0x18100] =	vst v63  }
0x7e: {  	s24 =	simm.s32 $0x11900  }
0x7f: {  	[tilespmem:s24], [sflag:$0x2] =	stream.indirect_vreg.gather [hbm4b:s2+s22], $0x80, v4, vm0, $0xb8;
	[tilespmem:$0x18100] =	vst v63  }
0x80: {  	s25 =	simm.s32 $0x12100  }
0x81: {  	[tilespmem:s25], [sflag:$0x2] =	stream.indirect_vreg.gather [hbm4b:s8+s22], $0x80, v4, vm0, $0xb8;
	[tilespmem:$0x18100] =	vst v63  }
0x82: {  	s26 =	simm.s32 $0x12900  }
0x83: {  	[tilespmem:s26], [sflag:$0x2] =	stream.indirect_vreg.gather [hbm4b:s9+s22], $0x80, v4, vm0, $0xb8;
	[tilespmem:$0x18100] =	vst v63  }
0x84: {  	s28 =	simm.s32 $0x13100  }
0x85: {  	[tilespmem:s28], [sflag:$0x2] =	stream.indirect_vreg.gather [hbm4b:s10+s22], $0x80, v4, vm1, $0xb8;
	[tilespmem:$0x18100] =	vst v63  }
0x86: {  	v4 =	vld.msk [tilespmem:s21+$0x48], $0xff;
	_ =	sdelay $0x4  }
0x87: {  	v5 =	vshrl.u32 v4, $0x3  }
0x88: {  	v5 =	vmul.u32 $0x38, v5  }
0x89: {  	v4 =	vand.u32 $0x7, v4  }
0x8a: {  	v4 =	vor.u32 v4, v5  }
0x8b: {  	v4 =	vperm.xlane v4, v0;
	_ =	sdelay $0x1  }
0x8c: {  	v4 =	vadd.s32 v1, v4;
	_ =	sdelay $0x4  }
0x8d: {  	[tilespmem:s30], [sflag:$0x2] =	stream.indirect_vreg.gather [hbm4b:s2+s22], $0x80, v4, vm0, $0xb8;
	[tilespmem:$0x18100] =	vst v63  }
0x8e: {  	_ = 	snop  }
0x8f: {  	[tilespmem:s31], [sflag:$0x2] =	stream.indirect_vreg.gather [hbm4b:s8+s22], $0x80, v4, vm0, $0xb8;
	[tilespmem:$0x18100] =	vst v63  }
0x90: {  	_ = 	snop  }
0x91: {  	[tilespmem:s1], [sflag:$0x2] =	stream.indirect_vreg.gather [hbm4b:s9+s22], $0x80, v4, vm0, $0xb8;
	[tilespmem:$0x18100] =	vst v63  }
0x92: {  	_ = 	snop  }
0x93: {  	[tilespmem:s0], [sflag:$0x2] =	stream.indirect_vreg.gather [hbm4b:s10+s22], $0x80, v4, vm1, $0xb8;
	[tilespmem:$0x18100] =	vst v63  }
0x94: {  	s20 =	sadd.s32 $0x28, s21  }
0x95: {  	[tilespmem:s11], [sflag:$0x4] =	stream.indirect.gather [hbm4b:s5+s7], $0x80, s20, s7, $0xb8;
	[tilespmem:$0x18100] =	vst v63  }
0x96: {  	_ =	swait.ge [sflag:s14], $0x8C00  }
0x97: {  	[sflag:s14] =	ssyncset.done $0x0  }
0x98: {  	[sflag:s14] =	ssyncadd.s32 $0xFFFF7400  }
0x99: {  	_ =	swait.ge [sflag:s15], $0x1400  }
0x9a: {  	[sflag:s15] =	ssyncset.done $0x0  }
0x9b: {  	s23 =	simm.s32 $0x15930;
	[sflag:s15] =	ssyncadd.s32 $0xFFFFEC00  }
0x9c: {  	v4 =	vld [tilespmem:s23+$0xFFFFFFD0]  }
0x9d: {  	s24 =	sand.u32 $0x7, s22  }
0x9e: {  	s24 =	sshll.u32 s24, $0x7  }
0x9f: {  	s24 =	sadd.s32 $0x0, s24  }
0xa0: {  	s25 =	sor.u32 $0x1C00, s24  }
0xa1: {  	[tilespmem:s25+$0x1900] =	vst v4  }
0xa2: {  	v4 =	vld [tilespmem:s23+$0xFFFFFFE0];
	_ =	sdelay $0x3  }
0xa3: {  	s29 =	sor.u32 $0x1C10, s24  }
0xa4: {  	[tilespmem:s29+$0x1900] =	vst v4  }
0xa5: {  	v4 =	vld [tilespmem:s23+$0xFFFFFFF0];
	_ =	sdelay $0x3  }
0xa6: {  	s26 =	sor.u32 $0x1C20, s24  }
0xa7: {  	[tilespmem:s26+$0x1900] =	vst v4  }
0xa8: {  	v4 =	vld [tilespmem:s23+$0x0];
	_ =	sdelay $0x3  }
0xa9: {  	s28 =	sor.u32 $0x1C30, s24  }
0xaa: {  	[tilespmem:s28+$0x1900] =	vst v4  }
0xab: {  	v4 =	vld [tilespmem:s23+$0x10];
	_ =	sdelay $0x3  }
0xac: {  	s29 =	sor.u32 $0x1C40, s24  }
0xad: {  	[tilespmem:s29+$0x1900] =	vst v4  }
0xae: {  	v4 =	vld [tilespmem:s23+$0x20];
	_ =	sdelay $0x1  }
0xaf: {  	v5 =	vmov s22  }
0xb0: {  	v6 =	vshll.u32 v5, $0x7  }
0xb1: {  	v5 =	vshll.u32 v5, $0xA;
	v6 =	vand.u32 $0x380, v6;
	s24 =	sor.u32 $0x1C50, s24  }
0xb2: {  	[tilespmem:s24+$0x1900] =	vst v4;
	v4 =	vor.u32 v6, v5  }
0xb3: {  	v5 =	vld [tilespmem:s23+$0x30];
	v4 =	vor.u32 v3, v4;
	_ =	sdelay $0x4  }
0xb4: {  	s23 =	simm.s32 $0x159B0;
	[tilespmem:v4+s13+$0x0] =	vst.idx.msk $0xff, v5  }
0xb5: {  	s25 =	simm.s32 $0x1;
	s26 =	simm.s32 $0x2;
	s24 =	simm.s32 $0x1;
	v4 =	vld [tilespmem:s23+$0xFFFFFFD0]  }
.LBB2_3:
0xb6: {  	p0 =	sne.s32 s26, $0x27;
	s28 =	sand.u32 $0x7, s25  }
0xb7: {  	s22 =	sadd.s32 $0x400, s22;
	s28 =	sshll.u32 s28, $0x7  }
0xb8: {  	s28 =	sadd.s32 s28, s22  }
0xb9: {  	s29 =	sor.u32 $0x1C00, s28  }
0xba: {  	[tilespmem:s29+$0x1900] =	vst v4  }
0xbb: {  	v4 =	vld [tilespmem:s23+$0xFFFFFFE0];
	_ =	sdelay $0x3  }
0xbc: {  	s29 =	sor.u32 $0x1C10, s28  }
0xbd: {  	[tilespmem:s29+$0x1900] =	vst v4  }
0xbe: {  	v4 =	vld [tilespmem:s23+$0xFFFFFFF0];
	_ =	sdelay $0x3  }
0xbf: {  	s29 =	sor.u32 $0x1C20, s28  }
0xc0: {  	[tilespmem:s29+$0x1900] =	vst v4  }
0xc1: {  	v4 =	vld [tilespmem:s23+$0x0];
	_ =	sdelay $0x3  }
0xc2: {  	s29 =	sor.u32 $0x1C30, s28  }
0xc3: {  	[tilespmem:s29+$0x1900] =	vst v4  }
0xc4: {  	v4 =	vld [tilespmem:s23+$0x10];
	_ =	sdelay $0x3  }
0xc5: {  	s29 =	sor.u32 $0x1C40, s28  }
0xc6: {  	[tilespmem:s29+$0x1900] =	vst v4  }
0xc7: {  	v4 =	vld [tilespmem:s23+$0x20];
	_ =	sdelay $0x1  }
0xc8: {  	v5 =	vmov s24;
	s24 =	smov.u32 s26  }
0xc9: {  	v6 =	vshll.u32 v5, $0x7  }
0xca: {  	v5 =	vshll.u32 v5, $0xA;
	v6 =	vand.u32 $0x380, v6;
	s28 =	sor.u32 $0x1C50, s28  }
0xcb: {  	[tilespmem:s28+$0x1900] =	vst v4;
	v4 =	vor.u32 v6, v5  }
0xcc: {  	v5 =	vld [tilespmem:s23+$0x30];
	v4 =	vor.u32 v3, v4;
	_ =	sdelay $0x1  }
.Ltmp0:
0xcd: {  	(pc) =	sbr.rel @p0 .LBB2_3-.Ltmp0, $3  }
0xce: {  	_ =	sdelay $0x1  }
0xcf: {  	s23 =	sadd.s32 $0x80, s23;
	[tilespmem:v4+s13+$0x0] =	vst.idx.msk $0xff, v5  }
0xd0: {  	s26 =	sadd.s32 $0x1, s26;
	s25 =	sadd.s32 $0x1, s25;
	v4 =	vld [tilespmem:s23+$0xFFFFFFD0]  }
0xd1: {  	s25 =	sand.u32 $0x7, s25  }
0xd2: {  	s22 =	sadd.s32 $0x400, s22;
	s25 =	sshll.u32 s25, $0x7  }
0xd3: {  	s22 =	sadd.s32 s25, s22  }
0xd4: {  	s25 =	sor.u32 $0x1C00, s22  }
0xd5: {  	[tilespmem:s25+$0x1900] =	vst v4  }
0xd6: {  	v4 =	vld [tilespmem:s23+$0xFFFFFFE0];
	_ =	sdelay $0x3  }
0xd7: {  	s28 =	sor.u32 $0x1C10, s22  }
0xd8: {  	[tilespmem:s28+$0x1900] =	vst v4  }
0xd9: {  	v4 =	vld [tilespmem:s23+$0xFFFFFFF0];
	_ =	sdelay $0x3  }
0xda: {  	s29 =	sor.u32 $0x1C20, s22  }
0xdb: {  	[tilespmem:s29+$0x1900] =	vst v4  }
0xdc: {  	v4 =	vld [tilespmem:s23+$0x0];
	_ =	sdelay $0x3  }
0xdd: {  	s26 =	sor.u32 $0x1C30, s22  }
0xde: {  	[tilespmem:s26+$0x1900] =	vst v4  }
0xdf: {  	v4 =	vld [tilespmem:s23+$0x10];
	_ =	sdelay $0x3  }
0xe0: {  	s28 =	sor.u32 $0x1C40, s22  }
0xe1: {  	[tilespmem:s28+$0x1900] =	vst v4  }
0xe2: {  	v4 =	vld [tilespmem:s23+$0x20];
	_ =	sdelay $0x1  }
0xe3: {  	v5 =	vmov s24  }
0xe4: {  	v6 =	vshll.u32 v5, $0x7  }
0xe5: {  	v5 =	vshll.u32 v5, $0xA;
	v6 =	vand.u32 $0x380, v6;
	s22 =	sor.u32 $0x1C50, s22  }
0xe6: {  	[tilespmem:s22+$0x1900] =	vst v4;
	v4 =	vor.u32 v6, v5  }
0xe7: {  	v5 =	vld [tilespmem:s23+$0x30];
	v4 =	vor.u32 v3, v4  }
0xe8: {  	p0 =	seq.s32 s19, $0x4F  }
.Ltmp1:
0xe9: {  	_ = 	snop;
	(pc) =	sbr.rel @p0 .LBB2_6-.Ltmp1, $4  }
0xea: {  	s29 =	sadd.s32 s4, s21  }
0xeb: {  	s22 =	sshll.u32 s29, $0x7  }
0xec: {  	s22 =	sadd.s32 s6, s22;
	[tilespmem:v4+s13+$0x0] =	vst.idx.msk $0xff, v5  }
0xed: {  	[hbm4b:s22+s3] =	stream.linear.scatter [tilespmem:s13], [sflag:$0x5], $0xA000, $0x38;
	[tilespmem:$0x18100] =	vst v63  }
0xee: {  	_ =	swait.ge [sflag:s18], $0xA000  }
0xef: {  	[sflag:s18] =	ssyncset.done $0x0  }
0xf0: {  	[sflag:s18] =	ssyncadd.s32 $0xFFFF6000  }
0xf1: {  	v4 =	vld [tilespmem:s21+$0x50];
	_ =	sdelay $0x4  }
0xf2: {  	v5 =	vshrl.u32 v4, $0x3  }
0xf3: {  	v5 =	vmul.u32 $0x38, v5  }
0xf4: {  	v4 =	vand.u32 $0x7, v4  }
0xf5: {  	v4 =	vor.u32 v4, v5  }
0xf6: {  	v5 =	vperm.xlane v4, v0;
	_ =	sdelay $0x1  }
0xf7: {  	v5 =	vadd.s32 v1, v5;
	_ =	sdelay $0x4  }
0xf8: {  	[tilespmem:s13], [sflag:$0x1] =	stream.indirect_vreg.gather [hbm4b:s2+s3], $0x80, v5, vm0, $0xb8;
	[tilespmem:$0x18100] =	vst v63  }
0xf9: {  	s22 =	simm.s32 $0x2100;
	v4 =	vperm.xlane v4, v2  }
0xfa: {  	[tilespmem:s22], [sflag:$0x1] =	stream.indirect_vreg.gather [hbm4b:s8+s3], $0x80, v5, vm0, $0xb8;
	[tilespmem:$0x18100] =	vst v63  }
0xfb: {  	s28 =	simm.s32 $0x2900;
	v4 =	vadd.s32 v1, v4  }
0xfc: {  	[tilespmem:s28], [sflag:$0x1] =	stream.indirect_vreg.gather [hbm4b:s9+s3], $0x80, v5, vm0, $0xb8;
	[tilespmem:$0x18100] =	vst v63  }
0xfd: {  	s29 =	simm.s32 $0x3100  }
0xfe: {  	[tilespmem:s29], [sflag:$0x1] =	stream.indirect_vreg.gather [hbm4b:s10+s3], $0x80, v5, vm1, $0xb8;
	[tilespmem:$0x18100] =	vst v63  }
0xff: {  	s23 =	simm.s32 $0x3900  }
0x100: {  	[tilespmem:s23], [sflag:$0x1] =	stream.indirect_vreg.gather [hbm4b:s2+s3], $0x80, v4, vm0, $0xb8;
	[tilespmem:$0x18100] =	vst v63  }
0x101: {  	s24 =	simm.s32 $0x4100  }
0x102: {  	[tilespmem:s24], [sflag:$0x1] =	stream.indirect_vreg.gather [hbm4b:s8+s3], $0x80, v4, vm0, $0xb8;
	[tilespmem:$0x18100] =	vst v63  }
0x103: {  	s25 =	simm.s32 $0x4900  }
0x104: {  	[tilespmem:s25], [sflag:$0x1] =	stream.indirect_vreg.gather [hbm4b:s9+s3], $0x80, v4, vm0, $0xb8;
	[tilespmem:$0x18100] =	vst v63  }
0x105: {  	s26 =	simm.s32 $0x5100  }
0x106: {  	[tilespmem:s26], [sflag:$0x1] =	stream.indirect_vreg.gather [hbm4b:s10+s3], $0x80, v4, vm1, $0xb8;
	[tilespmem:$0x18100] =	vst v63  }
0x107: {  	v4 =	vld [tilespmem:s21+$0x60];
	_ =	sdelay $0x4  }
0x108: {  	v5 =	vshrl.u32 v4, $0x3  }
0x109: {  	v5 =	vmul.u32 $0x38, v5  }
0x10a: {  	v4 =	vand.u32 $0x7, v4  }
0x10b: {  	v4 =	vor.u32 v4, v5  }
0x10c: {  	v5 =	vperm.xlane v4, v0;
	_ =	sdelay $0x1  }
0x10d: {  	v5 =	vadd.s32 v1, v5;
	_ =	sdelay $0x3  }
0x10e: {  	s28 =	simm.s32 $0x5900  }
0x10f: {  	[tilespmem:s28], [sflag:$0x1] =	stream.indirect_vreg.gather [hbm4b:s2+s3], $0x80, v5, vm0, $0xb8;
	[tilespmem:$0x18100] =	vst v63  }
0x110: {  	s29 =	simm.s32 $0x6100;
	v4 =	vperm.xlane v4, v2  }
0x111: {  	[tilespmem:s29], [sflag:$0x1] =	stream.indirect_vreg.gather [hbm4b:s8+s3], $0x80, v5, vm0, $0xb8;
	[tilespmem:$0x18100] =	vst v63  }
0x112: {  	s23 =	simm.s32 $0x6900;
	v4 =	vadd.s32 v1, v4  }
0x113: {  	[tilespmem:s23], [sflag:$0x1] =	stream.indirect_vreg.gather [hbm4b:s9+s3], $0x80, v5, vm0, $0xb8;
	[tilespmem:$0x18100] =	vst v63  }
0x114: {  	s24 =	simm.s32 $0x7100  }
0x115: {  	[tilespmem:s24], [sflag:$0x1] =	stream.indirect_vreg.gather [hbm4b:s10+s3], $0x80, v5, vm1, $0xb8;
	[tilespmem:$0x18100] =	vst v63  }
0x116: {  	s25 =	simm.s32 $0x7900  }
0x117: {  	[tilespmem:s25], [sflag:$0x1] =	stream.indirect_vreg.gather [hbm4b:s2+s3], $0x80, v4, vm0, $0xb8;
	[tilespmem:$0x18100] =	vst v63  }
0x118: {  	s26 =	simm.s32 $0x8100  }
0x119: {  	[tilespmem:s26], [sflag:$0x1] =	stream.indirect_vreg.gather [hbm4b:s8+s3], $0x80, v4, vm0, $0xb8;
	[tilespmem:$0x18100] =	vst v63  }
0x11a: {  	s28 =	simm.s32 $0x8900  }
0x11b: {  	[tilespmem:s28], [sflag:$0x1] =	stream.indirect_vreg.gather [hbm4b:s9+s3], $0x80, v4, vm0, $0xb8;
	[tilespmem:$0x18100] =	vst v63  }
0x11c: {  	s29 =	simm.s32 $0x9100  }
0x11d: {  	[tilespmem:s29], [sflag:$0x1] =	stream.indirect_vreg.gather [hbm4b:s10+s3], $0x80, v4, vm1, $0xb8;
	[tilespmem:$0x18100] =	vst v63  }
0x11e: {  	v4 =	vld.msk [tilespmem:s21+$0x70], $0xff;
	_ =	sdelay $0x4  }
0x11f: {  	v5 =	vshrl.u32 v4, $0x3  }
0x120: {  	v5 =	vmul.u32 $0x38, v5  }
0x121: {  	v4 =	vand.u32 $0x7, v4  }
0x122: {  	v4 =	vor.u32 v4, v5  }
0x123: {  	v4 =	vperm.xlane v4, v0;
	_ =	sdelay $0x1  }
0x124: {  	v4 =	vadd.s32 v1, v4;
	_ =	sdelay $0x3  }
0x125: {  	s23 =	simm.s32 $0x9900  }
0x126: {  	[tilespmem:s23], [sflag:$0x1] =	stream.indirect_vreg.gather [hbm4b:s2+s3], $0x80, v4, vm0, $0xb8;
	[tilespmem:$0x18100] =	vst v63  }
0x127: {  	s24 =	simm.s32 $0xA100  }
0x128: {  	[tilespmem:s24], [sflag:$0x1] =	stream.indirect_vreg.gather [hbm4b:s8+s3], $0x80, v4, vm0, $0xb8;
	[tilespmem:$0x18100] =	vst v63  }
0x129: {  	s25 =	simm.s32 $0xA900  }
0x12a: {  	[tilespmem:s25], [sflag:$0x1] =	stream.indirect_vreg.gather [hbm4b:s9+s3], $0x80, v4, vm0, $0xb8;
	[tilespmem:$0x18100] =	vst v63  }
0x12b: {  	s26 =	simm.s32 $0xB100  }
0x12c: {  	[tilespmem:s26], [sflag:$0x1] =	stream.indirect_vreg.gather [hbm4b:s10+s3], $0x80, v4, vm1, $0xb8;
	[tilespmem:$0x18100] =	vst v63  }
0x12d: {  	s28 =	sadd.s32 $0x50, s21;
	s29 =	simm.s32 $0x15900  }
0x12e: {  	[tilespmem:s29], [sflag:$0x3] =	stream.indirect.gather [hbm4b:s5+s7], $0x80, s28, s7, $0xb8;
	[tilespmem:$0x18100] =	vst v63  }
.LBB2_6:
0x12f: {  	_ =	swait.ge [sflag:s16], $0x8C00  }
0x130: {  	[sflag:s16] =	ssyncset.done $0x0  }
0x131: {  	[sflag:s16] =	ssyncadd.s32 $0xFFFF7400  }
0x132: {  	_ =	swait.ge [sflag:s17], $0x1400  }
0x133: {  	[sflag:s17] =	ssyncset.done $0x0  }
0x134: {  	s22 =	simm.s32 $0x16D30;
	[sflag:s17] =	ssyncadd.s32 $0xFFFFEC00  }
0x135: {  	s21 =	simm.s32 $0x0;
	v4 =	vld [tilespmem:s22+$0xFFFFFFD0]  }
0x136: {  	s23 =	sand.u32 $0x7, s21  }
0x137: {  	s23 =	sshll.u32 s23, $0x7  }
0x138: {  	s23 =	sadd.s32 $0x0, s23  }
0x139: {  	s24 =	sor.u32 $0x1C00, s23  }
0x13a: {  	[tilespmem:s24+$0xB900] =	vst v4  }
0x13b: {  	v4 =	vld [tilespmem:s22+$0xFFFFFFE0];
	_ =	sdelay $0x3  }
0x13c: {  	s25 =	sor.u32 $0x1C10, s23  }
0x13d: {  	[tilespmem:s25+$0xB900] =	vst v4  }
0x13e: {  	v4 =	vld [tilespmem:s22+$0xFFFFFFF0];
	_ =	sdelay $0x3  }
0x13f: {  	s26 =	sor.u32 $0x1C20, s23  }
0x140: {  	[tilespmem:s26+$0xB900] =	vst v4  }
0x141: {  	v4 =	vld [tilespmem:s22+$0x0];
	_ =	sdelay $0x3  }
0x142: {  	s28 =	sor.u32 $0x1C30, s23  }
0x143: {  	[tilespmem:s28+$0xB900] =	vst v4  }
0x144: {  	v4 =	vld [tilespmem:s22+$0x10];
	_ =	sdelay $0x3  }
0x145: {  	s29 =	sor.u32 $0x1C40, s23  }
0x146: {  	[tilespmem:s29+$0xB900] =	vst v4  }
0x147: {  	v4 =	vld [tilespmem:s22+$0x20];
	_ =	sdelay $0x1  }
0x148: {  	v5 =	vmov s21  }
0x149: {  	v6 =	vshll.u32 v5, $0x7  }
0x14a: {  	v5 =	vshll.u32 v5, $0xA;
	v6 =	vand.u32 $0x380, v6;
	s23 =	sor.u32 $0x1C50, s23  }
0x14b: {  	[tilespmem:s23+$0xB900] =	vst v4;
	v4 =	vor.u32 v6, v5  }
0x14c: {  	v5 =	vld [tilespmem:s22+$0x30];
	v4 =	vor.u32 v3, v4;
	_ =	sdelay $0x4  }
0x14d: {  	s22 =	simm.s32 $0x16DB0;
	[tilespmem:v4+s12+$0x0] =	vst.idx.msk $0xff, v5  }
0x14e: {  	s24 =	simm.s32 $0x1;
	s25 =	simm.s32 $0x2;
	s23 =	simm.s32 $0x1;
	v4 =	vld [tilespmem:s22+$0xFFFFFFD0]  }
.LBB2_7:
0x14f: {  	p0 =	sne.s32 s25, $0x27;
	s26 =	sand.u32 $0x7, s24  }
0x150: {  	s21 =	sadd.s32 $0x400, s21;
	s26 =	sshll.u32 s26, $0x7  }
0x151: {  	s26 =	sadd.s32 s26, s21  }
0x152: {  	s28 =	sor.u32 $0x1C00, s26  }
0x153: {  	[tilespmem:s28+$0xB900] =	vst v4  }
0x154: {  	v4 =	vld [tilespmem:s22+$0xFFFFFFE0];
	_ =	sdelay $0x3  }
0x155: {  	s28 =	sor.u32 $0x1C10, s26  }
0x156: {  	[tilespmem:s28+$0xB900] =	vst v4  }
0x157: {  	v4 =	vld [tilespmem:s22+$0xFFFFFFF0];
	_ =	sdelay $0x3  }
0x158: {  	s28 =	sor.u32 $0x1C20, s26  }
0x159: {  	[tilespmem:s28+$0xB900] =	vst v4  }
0x15a: {  	v4 =	vld [tilespmem:s22+$0x0];
	_ =	sdelay $0x3  }
0x15b: {  	s28 =	sor.u32 $0x1C30, s26  }
0x15c: {  	[tilespmem:s28+$0xB900] =	vst v4  }
0x15d: {  	v4 =	vld [tilespmem:s22+$0x10];
	_ =	sdelay $0x3  }
0x15e: {  	s28 =	sor.u32 $0x1C40, s26  }
0x15f: {  	[tilespmem:s28+$0xB900] =	vst v4  }
0x160: {  	v4 =	vld [tilespmem:s22+$0x20];
	_ =	sdelay $0x1  }
0x161: {  	v5 =	vmov s23;
	s23 =	smov.u32 s25  }
0x162: {  	v6 =	vshll.u32 v5, $0x7  }
0x163: {  	v5 =	vshll.u32 v5, $0xA;
	v6 =	vand.u32 $0x380, v6;
	s26 =	sor.u32 $0x1C50, s26  }
0x164: {  	[tilespmem:s26+$0xB900] =	vst v4;
	v4 =	vor.u32 v6, v5  }
0x165: {  	v5 =	vld [tilespmem:s22+$0x30];
	v4 =	vor.u32 v3, v4;
	_ =	sdelay $0x1  }
.Ltmp2:
0x166: {  	(pc) =	sbr.rel @p0 .LBB2_7-.Ltmp2, $3  }
0x167: {  	_ =	sdelay $0x1  }
0x168: {  	s22 =	sadd.s32 $0x80, s22;
	[tilespmem:v4+s12+$0x0] =	vst.idx.msk $0xff, v5  }
0x169: {  	s25 =	sadd.s32 $0x1, s25;
	s24 =	sadd.s32 $0x1, s24;
	v4 =	vld [tilespmem:s22+$0xFFFFFFD0]  }
0x16a: {  	s24 =	sand.u32 $0x7, s24  }
0x16b: {  	s21 =	sadd.s32 $0x400, s21;
	s24 =	sshll.u32 s24, $0x7  }
0x16c: {  	s21 =	sadd.s32 s24, s21  }
0x16d: {  	s24 =	sor.u32 $0x1C00, s21  }
0x16e: {  	[tilespmem:s24+$0xB900] =	vst v4  }
0x16f: {  	v4 =	vld [tilespmem:s22+$0xFFFFFFE0];
	_ =	sdelay $0x3  }
0x170: {  	s25 =	sor.u32 $0x1C10, s21  }
0x171: {  	[tilespmem:s25+$0xB900] =	vst v4  }
0x172: {  	v4 =	vld [tilespmem:s22+$0xFFFFFFF0];
	_ =	sdelay $0x3  }
0x173: {  	s26 =	sor.u32 $0x1C20, s21  }
0x174: {  	[tilespmem:s26+$0xB900] =	vst v4  }
0x175: {  	v4 =	vld [tilespmem:s22+$0x0];
	_ =	sdelay $0x3  }
0x176: {  	s28 =	sor.u32 $0x1C30, s21  }
0x177: {  	[tilespmem:s28+$0xB900] =	vst v4  }
0x178: {  	v4 =	vld [tilespmem:s22+$0x10];
	_ =	sdelay $0x3  }
0x179: {  	s29 =	sor.u32 $0x1C40, s21  }
0x17a: {  	[tilespmem:s29+$0xB900] =	vst v4  }
0x17b: {  	v4 =	vld [tilespmem:s22+$0x20];
	_ =	sdelay $0x1  }
0x17c: {  	v5 =	vmov s23  }
0x17d: {  	v6 =	vshll.u32 v5, $0x7  }
0x17e: {  	v5 =	vshll.u32 v5, $0xA;
	v6 =	vand.u32 $0x380, v6;
	s21 =	sor.u32 $0x1C50, s21  }
0x17f: {  	[tilespmem:s21+$0xB900] =	vst v4;
	v4 =	vor.u32 v6, v5  }
0x180: {  	s19 =	sadd.s32 $0x1, s19;
	v5 =	vld [tilespmem:s22+$0x30];
	v4 =	vor.u32 v3, v4  }
0x181: {  	p0 =	sne.s32 s19, $0x50  }
.Ltmp3:
0x182: {  	_ = 	snop;
	(pc) =	sbr.rel @p0 .LBB2_2-.Ltmp3, $4  }
0x183: {  	s20 =	sadd.s32 s4, s20  }
0x184: {  	s20 =	sshll.u32 s20, $0x7  }
0x185: {  	s20 =	sadd.s32 s6, s20;
	[tilespmem:v4+s12+$0x0] =	vst.idx.msk $0xff, v5  }
0x186: {  	[hbm4b:s20+s3] =	stream.linear.scatter [tilespmem:s12], [sflag:$0x6], $0xA000, $0x38;
	[tilespmem:$0x18100] =	vst v63  }
0x187: {  	_ =	swait.ge [sflag:s18], $0xA000  }
0x188: {  	[sflag:s18] =	ssyncset.done $0x0  }
0x189: {  	s20 =	simm.s32 $0x6;
	[sflag:s18] =	ssyncadd.s32 $0xFFFF6000  }
0x18a: {  	_ =	swait.ge [sflag:s20], $0xA000  }
0x18b: {  	s21 =	rddreg [dreg:$0x5]  }
0x18c: {  	s19 =	rddreg [dreg:$0x4];
	s21 =	sadd.s32 $0x1, s21  }
0x18d: {  	p0 =	sne.s32 s21, s19  }
.Ltmp4:
0x18e: {  	_ = 	snop;
	(pc) =	sbr.rel @p0 .LBB2_1-.Ltmp4, $3  }
0x18f: {  	_ =	sdelay $0x1  }
0x190: {  	[sflag:s20] =	ssyncset.done $0x0  }
0x191: {  	[sflag:s20] =	ssyncadd.s32 $0xFFFF6000  }
0x192: {  	_ =	sfence.sel $0x180000  }
0x193: {  	[bflag:$0x0] =	sbarrier.arrive $0xFFFF  }
0x194: {  	_ =	strace $0x90000047  }
0x195: {  	s0 =	stileid.u32;
	[bflag:$0x2] =	sbarrier.arrive $0xFFFF  }
0x196: {  	p0 =	sne.s32 s0, $0x0;
	s0 =	rddreg [dreg:$0x2]  }
0x197: {  	s0 =	sadd.s32 @!p0 $0x100000, s0  }
0x198: {  	[sflag:s0] =	ssyncadd.tile.s32 @!p0 $0x1;
	_ =	shalt  }
.Lfunc_end2:
_tile_overlayer_lowered:
.L_overlay_start_2:
0x199: {  	(tag) =	ssettag $0x2  }
0x19a: {  	s0 =	rddreg [dreg:$0x0];
	s2 =	stileid.u32  }
0x19b: {  	s1 =	rddreg [dreg:$0x1];
	p0 =	sne.s32 s2, $0x0  }
0x19c: {  	s3 =	rddreg [dreg:$0x2];
	[bflag:$0x3] =	sbarrier.arrive $0xFFFF;
	s2 =	simm.s32 @!p0 $0x1C07  }
0x19d: {  	[timem:s3], [sflag:s2] =	dma.local @!p0 [hbm:s0], s1  }
0x19e: {  	s0 =	simm.s32 @!p0 $0x7  }
0x19f: {  	_ =	swait.ge @!p0 [sflag:s0], s1  }
0x1a0: {  	s1 =	ssub.s32 @!p0 $0x0, s1;
	[sflag:s0] =	ssyncset.done @!p0 $0x0  }
0x1a1: {  	[sflag:s0] =	ssyncadd.s32 @!p0 s1  }
0x1a2: {  	[bflag:$0x3] =	sbarrier.arrive $0xFFFF  }
0x1a3: {  	_ =	shalt  }

// kernel: sparse-core-data-format-call.cloned.1.call-start
scs
called_computation_lowered:
.L_overlay_start_0:
0x0: {  	s2 =	sld [smem:$0x3FD9]  }
0x1: {  	s3 =	sld [smem:$0x3FFE];
	_ =	sdelay $0x1  }
0x2: {  	s1 =	srdreg.scid  }
0x3: {  	s0 =	sand.u32 $0x1, s1  }
0x4: {  	s18 =	sshll.u32 s0, $0xA;
	s2 =	sadd.s32 s3, s2  }
0x5: {  	s2 =	sadd.s32 s2, s18  }
0x6: {  	[smem:$0x3FC6] =	sst s2  }
0x7: {  	_ = 	snop  }
0x8: {  	s2 =	sld [smem:$0x3FD0];
	(tm) =	ssettm $0x1  }
0x9: {  	s19 =	sld [smem:$0x3FFB];
	_ =	sdelay $0x3  }
0xa: {  	_ =	strace s19  }
0xb: {  	s3 =	sld [smem:$0x3FFC];
	_ =	sdelay $0x3  }
0xc: {  	_ =	strace s3  }
0xd: {  	s3 =	sld [smem:$0x3FFD];
	_ =	sdelay $0x3  }
0xe: {  	_ =	strace s3  }
0xf: {  	_ =	strace $0x8FFFFFFF  }
0x10: {  	s20 =	sld [smem:$0x3FDB];
	_ =	sdelay $0x1  }
0x11: {  	s4 =	simm.s32 $_scs_section_size  }
0x12: {  	s5 =	simm.s32 $_size__tile_overlayer_lowered;
	s6 =	simm.s32 $_tile_overlayer_lowered  }
0x13: {  	s23 =	simm.s32 $0x1BFF;
	s22 =	sshll.u32 s6, $0x1;
	s3 =	sadd.s32 s4, s20  }
0x14: {  	s7 =	simm.s32 $0x0;
	s21 =	sshll.u32 s5, $0x1;
	s5 =	sadd.s32 s22, s3  }
0x15: {  	[timem:s7], [sflag:s23] =	dma.local [hbm:s5], s21  }
0x16: {  	_ =	swait.ge [sflag:s23], s21  }
0x17: {  	s4 =	ssub.s32 $0x0, s21;
	[sflag:s23] =	ssyncset.done $0x0  }
0x18: {  	[sflag:s23] =	ssyncadd.s32 s4;
	_ =	sdelay $0x1  }
0x19: {  	s24 =	simm.s32 $0x1B8B  }
0x1a: {  	_ =	swait.ge [sflag:s24], $0x1  }
0x1b: {  	[sflag:s24] =	ssyncset.done $0x0  }
0x1c: {  	s26 =	simm.s32 $0x1B8E;
	s25 =	sld [smem:$0x3FFE];
	[sflag:s24] =	ssyncadd.s32 $0xFFFFFFFF  }
0x1d: {  	s27 =	simm.s32 $execute0_lowered;
	[smem:$0x3FD2] =	sst s26  }
0x1e: {  	s5 =	sshll.u32 s27, $0x1;
	_ =	strace $0x80000049;
	[dreg:$0x1] =	wrdreg $0xFFFFFFFF  }
0x1f: {  	s28 =	simm.s32 $_size_execute0_lowered;
	s3 =	sadd.s32 s3, s5;
	[dreg:$0x0] =	wrdreg $0x0  }
0x20: {  	s5 =	sshll.u32 s28, $0x1;
	[dreg:$0x2] =	wrdreg s3  }
0x21: {  	[dreg:$0x3] =	wrdreg s5  }
0x22: {  	[dreg:$0x4] =	wrdreg $0xC0  }
0x23: {  	_ =	task [dreg:s7], $0x5FFFF  }
0x24: {  	[dreg:$0x1] =	wrdreg $0xFFFFFFFF  }
0x25: {  	[dreg:$0x0] =	wrdreg $0x60  }
0x26: {  	[dreg:$0x2] =	wrdreg s25  }
0x27: {  	[dreg:$0x3] =	wrdreg s2  }
0x28: {  	[dreg:$0x4] =	wrdreg $0x9  }
0x29: {  	_ =	task.clear_ibuf [dreg:s7], $0x5FFFF;
	_ =	strace $0x90000049  }
0x2a: {  	s29 =	simm.s32 $0x9;
	_ =	strace $0x8000004B  }
0x2b: {  	_ =	swait.ge [sflag:s29], $0x1  }
0x2c: {  	[sflag:s29] =	ssyncadd.s32 $0xFFFFFFFF  }
0x2d: {  	_ =	strace $0x9000004B  }
0x2e: {  	_ =	sfence  }
0x2f: {  	s30 =	sld [smem:$0x0];
	_ =	sdelay $0x2  }
0x30: {  	s31 =	sshll.u32 s1, $0xD;
	s1 =	sshrl.u32 s1, $0x2  }
0x31: {  	s3 =	sand.u32 $0x4000, s31;
	s1 =	sadd.s32 s1, s30  }
0x32: {  	s0 =	sor.u32 s3, s0;
	s1 =	sshll.u32 s1, $0x11  }
0x33: {  	s0 =	sor.u32 s1, s0  }
0x34: {  	s0 =	sadd.s32 $0x8F2B, s0  }
0x35: {  	[sflag:s0] =	ssyncadd.remote.s32 $0x1  }
0x36: {  	_ =	sfence.sel $0xFFFF  }
0x37: {  	[dreg:$0x0] =	wrdreg $0xFFFFFFFF;
	(pc) =	sbr.abs _section_cstart, $3  }
0x38: {  	[dreg:$0x1] =	wrdreg $0xFFFFFFFF  }
0x39: {  	_ =	task.clear_ibuf [dreg:s7], $0x2FFFF;
	_ =	strace $0x9FFFFFFF  }
0x3a: {  	(tm) =	ssettm $0x7FFFFFFF  }
0x3b: {  	_ =	shalt  }
tec
execute0_lowered:
.L_overlay_start_1:
0x0: {  	(tag) =	ssettag $0x1  }
0x1: {  	s4 =	rddreg [dreg:$0x0]  }
0x2: {  	s0 =	stileid.u32;
	s2 =	rddreg [dreg:$0x1]  }
0x3: {  	s7 =	srdreg.scid;
	s31 =	simm.s32 $0x2;
	s17 =	simm.s32 $0x0  }
0x4: {  	s9 =	simm.s32 $0x2000;
	s19 =	simm.s32 $0x0;
	s18 =	simm.s32 $0x0  }
0x5: {  	s10 =	simm.s32 $0x0;
	s11 =	simm.s32 $0x0;
	s1 =	sshll.u32 s0, $0x7  }
0x6: {  	s12 =	simm.s32 $0x0;
	s14 =	simm.s32 $0x0;
	s3 =	sand.u32 $0x380, s1  }
0x7: {  	s16 =	simm.s32 $0x0;
	s4 =	sadd.s32 $0xAC00, s4;
	s5 =	ssub.s32 $0x400, s3  }
0x8: {  	s8 =	sshll.u32 s0, $0x4;
	s7 =	sshll.u32 s7, $0x8;
	s6 =	sand.u32 $0x380, s5  }
0x9: {  	s1 =	rddreg [dreg:$0x2];
	p0 =	sne.s32 s6, $0x0;
	s6 =	simm.s32 $0x1  }
.Ltmp0:
0xa: {  	s5 =	sshrl.u32 s5, $0xA;
	s6 =	simm.s32 @!p0 $0x0;
	(pc) =	sbr.rel .LBB1_1-.Ltmp0, $4  }
0xb: {  	_ =	strace $0x8000004A;
	s7 =	sor.u32 s8, s7;
	s6 =	sadd.s32 s6, s5  }
0xc: {  	s7 =	sand.u32 $0x180, s7;
	s5 =	simm.s32 $0x1;
	s6 =	smul.u32 $0x190, s6  }
0xd: {  	s15 =	smov.u32 s3;
	s13 =	smov.u32 s7;
	[sflag:s5] =	ssyncpa.u1 $0x0  }
0xe: {  	p0 =	por $0x0, $0x0;
	[sflag:s31] =	ssyncpa.u1 $0x0;
	s8 =	sor.u32 $0x1, s6  }
.LBB1_4:
0xf: {  	s25 =	sshll.u32 s10, $0xA;
	s24 =	sshra.s32 s24, $0x2;
	s26 =	sshll.u32 s12, $0x3  }
0x10: {  	p1 =	sgt.s32 s11, $0xC7;
	s27 =	smov.u32 s11;
	s28 =	sshra.s32 s11, $0x1F  }
0x11: {  	p2 =	sgt.s32 s12, $0x380;
	s31 =	sshra.s32 s12, $0x1F;
	s25 =	sand.u32 $0xFFFFE000, s25  }
0x12: {  	s26 =	sand.u32 $0xFFFFFC00, s26;
	s27 =	simm.s32 @!p1 $0xC7;
	s28 =	sand.u32 s28, s11  }
0x13: {  	[tilespmem:s22+$0x2040 ss:$0x81] =	vst.msk $0xffff, v4;
	s23 =	sadd.s32 s24, s23;
	s29 =	sadd.s32 s26, s25;
	s25 =	ssub.s32 s27, s28  }
0x14: {  	[tilespmem:s22+$0x2850 ss:$0x81] =	vst.msk $0xffff, v3;
	s27 =	smov.u32 s12;
	s28 =	smov.u32 s10;
	s26 =	sand.u32 s31, s12  }
0x15: {  	[tilespmem:s22+$0x3060 ss:$0x81] =	vst.msk $0xffff, v2;
	s24 =	sshrl.u32 s29, $0xA;
	s30 =	sadd.s32 $0xFFFFFF39, s25;
	s27 =	simm.s32 @!p2 $0x380  }
0x16: {  	v5 =	vld [tilespmem:s21+$0xFFFFFFD0];
	[tilespmem:s22+$0x0 ss:$0x81] =	vst.msk $0xffff, v1;
	p2 =	sgt.s32 s10, $0x368;
	s29 =	sshra.s32 s10, $0x1F;
	s22 =	ssub.s32 $0xC8, s25  }
0x17: {  	v58 =	vld [tilespmem:s21+$0xFFFFFFE0];
	p1 =	sgt.s32 s30, $0x0;
	s28 =	simm.s32 @!p2 $0x368;
	s29 =	sand.u32 s29, s10  }
0x18: {  	v59 =	vld [tilespmem:s21+$0xFFFFFFF0];
	s26 =	ssub.s32 s27, s26;
	s27 =	smulhi.u32 $0x418938, s24;
	s28 =	ssub.s32 s28, s29  }
0x19: {  	v60 =	vld [tilespmem:s21+$0x0];
	s30 =	sadd.s32 $0xFFFFFC80, s26;
	s25 =	ssub.s32 $0x400, s26;
	s22 =	simm.s32 @p1 $0x0  }
0x1a: {  	v61 =	vld [tilespmem:s21+$0x10];
	[tilespmem:s23+$0x3870 ss:$0x81] =	vst.msk $0xffff, v0;
	s29 =	sand.u32 $0x78, s12;
	p2 =	sgt.s32 s30, $0x7F;
	s31 =	sadd.s32 $0xFFFFFC98, s28  }
0x1b: {  	v62 =	vld [tilespmem:s21+$0x20];
	[tilespmem:s23+$0x810 ss:$0x81] =	vst.msk $0xffff, v5;
	s27 =	smul.u32 $0x3E8, s27;
	s30 =	sshll.u32 s10, $0x7;
	s28 =	ssub.s32 $0x3E8, s28  }
0x1c: {  	v63 =	vld [tilespmem:s21+$0xFFFFFFC0];
	[tilespmem:s23+$0x1020 ss:$0x81] =	vst.msk $0xffff, v58;
	s25 =	simm.s32 @p2 $0x0;
	p1 =	sgt.s32 s31, $0x7F;
	s31 =	smul.u32 $0x1F400, s11  }
0x1d: {  	[tilespmem:s23+$0x1830 ss:$0x81] =	vst.msk $0xffff, v59;
	s21 =	sand.u32 $0x380, s30;
	s22 =	smul.u32 s25, s22;
	s28 =	simm.s32 @p1 $0x0  }
0x1e: {  	[tilespmem:s23+$0x2040 ss:$0x81] =	vst.msk $0xffff, v60;
	s21 =	sor.u32 s29, s21;
	s24 =	ssub.s32 s24, s27;
	s29 =	sand.u32 $0x7, s12  }
0x1f: {  	[tilespmem:s23+$0x2850 ss:$0x81] =	vst.msk $0xffff, v61;
	s21 =	sshrl.u32 s21, $0x3;
	s25 =	sadd.s32 s2, s31;
	s22 =	smul.u32 s28, s22  }
0x20: {  	[tilespmem:s23+$0x3060 ss:$0x81] =	vst.msk $0xffff, v62;
	s24 =	sshll.u32 s24, $0x7;
	s30 =	sshll.u32 s29, $0x12;
	s21 =	sadd.s32 s21, s25  }
0x21: {  	[tilespmem:s23+$0x0 ss:$0x81] =	vst.msk $0xffff, v63;
	s31 =	sor.u32 $0x400, s30;
	s21 =	sadd.s32 s24, s21;
	s22 =	sand.u32 $0x3FFFFFFF, s22  }
0x22: {  	[hbm4b:s21+s31] =	stream.strided.scatter [tilespmem:s20], [sflag:$0x2], s22, s9, s31, $0x20;
	[tilespmem:$0x10100] =	vst v63  }
.LBB1_5:
0x23: {  	p1 =	slt.u32 s16, $0x2  }
0x24: {  	p2 =	sgt.s32 @!p1 s19, $0xC7  }
0x25: {  	s20 =	smov.u32 s19;
	s21 =	sshra.s32 @!p1 s19, $0x1F;
	p2 =	por !p2, p1  }
0x26: {  	s19 =	sand.u32 @!p1 s21, s19;
	s20 =	simm.s32 @p2 $0xC7  }
0x27: {  	p3 =	sgt.s32 @!p1 s17, $0x368;
	s19 =	ssub.s32 @!p1 s20, s19  }
0x28: {  	p4 =	sgt.s32 @!p1 s18, $0x380;
	s22 =	sshra.s32 @!p1 s18, $0x1F;
	s20 =	sadd.s32 @!p1 $0xFFFFFF39, s19  }
0x29: {  	s21 =	smov.u32 s17;
	p2 =	sgt.s32 @!p1 s20, $0x0;
	s20 =	sshra.s32 @!p1 s17, $0x1F  }
0x2a: {  	p4 =	por !p4, p1;
	s17 =	sand.u32 @!p1 s20, s17;
	s20 =	smov.u32 s18  }
0x2b: {  	p3 =	por !p3, p1;
	s18 =	sand.u32 @!p1 s22, s18;
	s20 =	simm.s32 @p4 $0x380  }
0x2c: {  	s21 =	simm.s32 @p3 $0x368;
	s19 =	ssub.s32 @!p1 $0xC8, s19;
	s18 =	ssub.s32 @!p1 s20, s18  }
0x2d: {  	p2 =	por !p2, p1;
	s17 =	ssub.s32 @!p1 s21, s17;
	s21 =	sadd.s32 @!p1 $0xFFFFFC80, s18  }
0x2e: {  	s19 =	simm.s32 @!p2 $0x0;
	p3 =	sgt.s32 @!p1 s21, $0x7F  }
0x2f: {  	s20 =	sadd.s32 @!p1 $0xFFFFFC98, s17;
	s18 =	ssub.s32 @!p1 $0x400, s18;
	p3 =	por !p3, p1  }
0x30: {  	p2 =	sgt.s32 @!p1 s20, $0x7F;
	s20 =	sadd.s32 $0x200, s13;
	s18 =	simm.s32 @!p3 $0x0  }
0x31: {  	p3 =	sgt.s32 s20, $0x3E7;
	s18 =	smul.u32 @!p1 s18, s19;
	s19 =	simm.s32 $0x1  }
0x32: {  	s17 =	ssub.s32 @!p1 $0x3E8, s17;
	p2 =	por !p2, p1;
	s19 =	simm.s32 @!p3 $0x0  }
0x33: {  	s22 =	smov.u32 s15;
	s17 =	simm.s32 @!p2 $0x0;
	s21 =	sadd.s32 s19, s14  }
0x34: {  	s17 =	smul.u32 @!p1 s17, s18;
	s18 =	sadd.s32 $0x400, s15;
	p2 =	sgt.s32 s21, $0xC7  }
0x35: {  	p0 =	por !p0, !p0;
	s23 =	simm.s32 @!p1 $0x2;
	s22 =	smov.u32 @p2 s18  }
0x36: {  	s20 =	smov.u32 @p3 s7;
	s21 =	simm.s32 @p2 $0x0;
	p2 =	sgt.s32 s22, $0x3FF  }
0x37: {  	s19 =	smov.u32 s11;
	s22 =	smov.u32 @p2 s3;
	p2 =	sne.s32 s16, s8  }
.Ltmp1:
0x38: {  	s11 =	smov.u32 s14;
	s17 =	sand.u32 @!p1 $0x3FFFFFFF, s17;
	(pc) =	sbr.rel @!p2 .LBB1_6-.Ltmp1, $4  }
0x39: {  	s18 =	smov.u32 s12;
	s12 =	smov.u32 s15;
	_ =	swait.ge @!p1 [sflag:s23], s17  }
0x3a: {  	s24 =	ssub.s32 @!p1 $0x0, s17;
	s17 =	smov.u32 s10;
	s10 =	smov.u32 s13  }
0x3b: {  	s13 =	smov.u32 s20;
	s14 =	smov.u32 s21;
	[sflag:s23] =	ssyncset.done @!p1 $0x0  }
0x3c: {  	s16 =	sadd.s32 $0x1, s16;
	[sflag:s23] =	ssyncadd.s32 @!p1 s24;
	s15 =	smov.u32 s22  }
.LBB1_1:
0x3d: {  	p1 =	sge.u32 s16, s6  }
0x3e: {  	s20 =	sshll.u32 @!p1 s14, $0xA  }
0x3f: {  	s21 =	sshll.u32 @!p1 s13, $0x3;
	s20 =	sand.u32 @!p1 $0xFFFFE000, s20  }
0x40: {  	s20 =	sadd.s32 @!p1 s20, s21  }
0x41: {  	s20 =	sshrl.u32 @!p1 s20, $0xA  }
0x42: {  	s21 =	smulhi.u32 @!p1 $0x147AE15, s20  }
0x43: {  	s22 =	sshll.u32 @!p1 s14, $0x7;
	s24 =	smul.u32 @!p1 $0x6400, s15  }
0x44: {  	s23 =	sand.u32 @!p1 $0x78, s13;
	s22 =	sand.u32 @!p1 $0x380, s22;
	s21 =	smul.u32 @!p1 $0xC8, s21  }
0x45: {  	s31 =	sadd.s32 $0xFFFFFFFF, s16;
	s22 =	sor.u32 @!p1 s23, s22;
	s23 =	sadd.s32 @!p1 s4, s24  }
0x46: {  	s22 =	sshrl.u32 @!p1 s22, $0x3;
	s20 =	ssub.s32 @!p1 s20, s21;
	s21 =	sxor.u32 @!p1 $0xFFFFFFFF, s16  }
0x47: {  	s22 =	sadd.s32 @!p1 s22, s23;
	s23 =	sand.u32 @!p1 $0x7, s13;
	s21 =	sshll.u32 @!p1 s21, $0xE  }
0x48: {  	s23 =	sshll.u32 @!p1 s23, $0x12;
	s20 =	sshll.u32 @!p1 s20, $0x7;
	s21 =	sand.u32 @!p1 $0x4000, s21  }
0x49: {  	s20 =	sadd.s32 @!p1 s20, s22;
	s22 =	sor.u32 @!p1 $0x80, s23;
	s23 =	simm.s32 @!p1 $0x32000  }
0x4a: {  	[tilespmem:s21], [sflag:$0x1] =	stream.strided.gather @!p1 [hbm4b:s20+s22], $0x4000, s23, s22, $0x38;
	[tilespmem:$0x10100] =	vst v63  }
0x4b: {  	p1 =	sge.u32 s31, s6  }
.Ltmp2:
0x4c: {  	_ = 	snop;
	(pc) =	sbr.rel @p1 .LBB1_5-.Ltmp2, $1  }
0x4d: {  	_ =	sdelay $0x3  }
0x4e: {  	s20 =	simm.s32 $0x1  }
0x4f: {  	_ =	swait.ge [sflag:s5], $0x4000;
	s20 =	simm.s32 @!p0 $0x0  }
0x50: {  	[sflag:s5] =	ssyncset.done $0x0;
	s21 =	sshll.u32 s20, $0xE  }
0x51: {  	[sflag:s5] =	ssyncadd.s32 $0xFFFFC000;
	s21 =	sor.u32 $0x40, s21  }
0x52: {  	s20 =	smul.u32 $0x10200, s20;
	v0 =	vld [tilespmem:s21+$0x30]  }
0x53: {  	v1 =	vld [tilespmem:s21+$0xFFFFFFD0]  }
0x54: {  	s20 =	sshrl.u32 s20, $0x2;
	v5 =	vld [tilespmem:s21+$0xFFFFFFE0]  }
0x55: {  	v6 =	vld [tilespmem:s21+$0xFFFFFFF0];
	s23 =	sor.u32 $0x8000, s20  }
0x56: {  	s31 =	sand.u32 $0x1, s16;
	v4 =	vld [tilespmem:s21+$0x0];
	s22 =	sadd.s32 $0x0, s23  }
0x57: {  	v3 =	vld [tilespmem:s21+$0x10];
	s20 =	smul.u32 $0x10200, s31;
	[tilespmem:s22+$0x3870 ss:$0x81] =	vst.msk $0xffff, v0  }
0x58: {  	v2 =	vld [tilespmem:s21+$0x20];
	[tilespmem:s22+$0x810 ss:$0x81] =	vst.msk $0xffff, v1  }
0x59: {  	s20 =	sshrl.u32 s20, $0x2;
	v1 =	vld [tilespmem:s21+$0xFFFFFFC0];
	[tilespmem:s22+$0x1020 ss:$0x81] =	vst.msk $0xffff, v5;
	s21 =	sadd.s32 $0x80, s21  }
0x5a: {  	s24 =	simm.s32 $0x4;
	s25 =	simm.s32 $0x8;
	s20 =	sor.u32 $0x8000, s20;
	[tilespmem:s22+$0x1830 ss:$0x81] =	vst.msk $0xffff, v6;
	v0 =	vld [tilespmem:s21+$0x30]  }
.LBB1_3:
0x5b: {  	p1 =	sne.s32 s25, $0x1FC;
	v5 =	vld [tilespmem:s21+$0xFFFFFFD0];
	[tilespmem:s22+$0x2040 ss:$0x81] =	vst.msk $0xffff, v4  }
0x5c: {  	v6 =	vld [tilespmem:s21+$0xFFFFFFE0];
	[tilespmem:s22+$0x2850 ss:$0x81] =	vst.msk $0xffff, v3  }
0x5d: {  	s26 =	sshra.s32 s24, $0x2;
	s24 =	smov.u32 s25;
	v7 =	vld [tilespmem:s21+$0xFFFFFFF0];
	[tilespmem:s22+$0x3060 ss:$0x81] =	vst.msk $0xffff, v2  }
.Ltmp3:
0x5e: {  	v4 =	vld [tilespmem:s21+$0x0];
	[tilespmem:s22+$0x0 ss:$0x81] =	vst.msk $0xffff, v1;
	s22 =	sadd.s32 s26, s23;
	(pc) =	sbr.rel @p1 .LBB1_3-.Ltmp3, $4  }
0x5f: {  	v3 =	vld [tilespmem:s21+$0x10];
	[tilespmem:s22+$0x3870 ss:$0x81] =	vst.msk $0xffff, v0  }
0x60: {  	[tilespmem:s22+$0x810 ss:$0x81] =	vst.msk $0xffff, v5;
	v2 =	vld [tilespmem:s21+$0x20]  }
0x61: {  	v1 =	vld [tilespmem:s21+$0xFFFFFFC0];
	[tilespmem:s22+$0x1020 ss:$0x81] =	vst.msk $0xffff, v6;
	s21 =	sadd.s32 $0x80, s21  }
0x62: {  	s25 =	sadd.s32 $0x4, s25;
	v0 =	vld [tilespmem:s21+$0x30];
	[tilespmem:s22+$0x1830 ss:$0x81] =	vst.msk $0xffff, v7  }
.Ltmp4:
0x63: {  	_ = 	snop;
	(pc) =	sbr.rel .LBB1_4-.Ltmp4, $1  }
0x64: {  	_ =	sdelay $0x3  }
.LBB1_6:
0x65: {  	_ =	sfence.sel $0x180000  }
0x66: {  	s2 =	simm.s32 $0x1;
	[bflag:$0x0] =	sbarrier.arrive $0xFFFF  }
0x67: {  	s31 =	simm.s32 $0x2;
	[sflag:s2] =	ssyncpa.u1 $0x1  }
0x68: {  	[sflag:s31] =	ssyncpa.u1 $0x1  }
0x69: {  	p0 =	sne.s32 s0, $0x0;
	_ =	strace $0x9000004A  }
0x6a: {  	s0 =	sadd.s32 @!p0 $0x100000, s1;
	[bflag:$0x2] =	sbarrier.arrive $0xFFFF  }
0x6b: {  	[sflag:s0] =	ssyncadd.tile.s32 @!p0 $0x1;
	_ =	shalt  }
.Lfunc_end1:
_tile_overlayer_lowered:
.L_overlay_start_2:
0x6c: {  	(tag) =	ssettag $0x2  }
0x6d: {  	s0 =	rddreg [dreg:$0x0];
	s2 =	stileid.u32  }
0x6e: {  	s1 =	rddreg [dreg:$0x1];
	p0 =	sne.s32 s2, $0x0  }
0x6f: {  	s3 =	rddreg [dreg:$0x2];
	[bflag:$0x3] =	sbarrier.arrive $0xFFFF;
	s2 =	simm.s32 @!p0 $0x1C01  }
0x70: {  	[timem:s3], [sflag:s2] =	dma.local @!p0 [hbm:s0], s1  }
0x71: {  	s0 =	simm.s32 @!p0 $0x1  }
0x72: {  	_ =	swait.ge @!p0 [sflag:s0], s1  }
0x73: {  	s1 =	ssub.s32 @!p0 $0x0, s1;
	[sflag:s0] =	ssyncset.done @!p0 $0x0  }
0x74: {  	[sflag:s0] =	ssyncadd.s32 @!p0 s1  }
0x75: {  	[bflag:$0x3] =	sbarrier.arrive $0xFFFF  }
0x76: {  	_ =	shalt  }

</sc_bundles>
